<compile_context>
chip_gen: v7x
topology: tpu7x:2x2x1
jax: 0.10.2.dev20260603
libtpu: 0.0.44.dev20260713+nightly
codegen_flags: <defaults>
</compile_context>

<pallas_src>
import functools

import jax
import jax.numpy as jnp
from jax import lax
from jax.experimental import pallas as pl
from jax.experimental.pallas import tpu as pltpu
from jax.experimental.pallas import tpu_sc as plsc

_N = 16384
_D = 128
_NC = 2
_NS = 16
_NW = _NC * _NS
_ROWS_PER_W = _N // _NW
_C = 128
_NCHUNK = _ROWS_PER_W // _C
_LANE = 16
_VECS_PER_ROW = _D // _LANE


def _mix_body(x_hbm, perm_hbm, alpha_hbm, out_hbm, idx_v, x_v, p_v, o_v,
              alpha_s,
              sem_a, sem_i, sem_g0, sem_g1, sem_x0, sem_x1, sem_o0, sem_o1):
    wid = lax.axis_index("s") * _NC + lax.axis_index("c")
    base_w = wid * _ROWS_PER_W
    sg = (sem_g0, sem_g1)
    sx = (sem_x0, sem_x1)
    so = (sem_o0, sem_o1)

    c_a = pltpu.async_copy(alpha_hbm, alpha_s, sem_a)
    c_i = pltpu.async_copy(perm_hbm.at[wid], idx_v, sem_i)

    def lin_in(ci):
        b = ci % 2
        return pltpu.async_copy(x_hbm.at[pl.ds(base_w + ci * _C, _C)],
                                x_v.at[b], sx[b])

    def gat_in(ci):
        b = ci % 2
        return pltpu.async_copy(x_hbm.at[idx_v.at[ci]], p_v.at[b], sg[b])

    cx0, cx1 = lin_in(0), lin_in(1)
    c_i.wait()
    ins = [None] * _NCHUNK
    ins[0] = (gat_in(0), cx0)
    ins[1] = (gat_in(1), cx1)

    def issue_in(ci):
        return gat_in(ci), lin_in(ci)

    c_a.wait()
    av = alpha_s[...]
    bv = jnp.float32(1.0) - av

    def compute(b):
        def row(r, c2):
            for j in range(_VECS_PER_ROW):
                sl = pl.ds(j * _LANE, _LANE)
                o_v[b, r, sl] = av * x_v[b, r, sl] + bv * p_v[b, r, sl]
            return c2
        lax.fori_loop(0, _C, row, 0)

    outs = [None] * _NCHUNK
    for ci in range(_NCHUNK):
        b = ci % 2
        cg, cx = ins[ci]
        cg.wait()
        cx.wait()
        if ci >= 2:
            outs[ci - 2].wait()
        compute(b)
        outs[ci] = pltpu.async_copy(
            o_v.at[b], out_hbm.at[pl.ds(base_w + ci * _C, _C)], so[b])
        if ci + 2 < _NCHUNK:
            ins[ci + 2] = issue_in(ci + 2)
    outs[_NCHUNK - 2].wait()
    outs[_NCHUNK - 1].wait()


@functools.partial(jax.jit)
def _mix(x, perm3, alpha1):
    mesh = plsc.VectorSubcoreMesh(core_axis_name="c", subcore_axis_name="s")
    return pl.kernel(
        _mix_body,
        mesh=mesh,
        out_type=jax.ShapeDtypeStruct((_N, _D), jnp.float32),
        scratch_types=[
            pltpu.VMEM((_NCHUNK, _C), jnp.int32),
            pltpu.VMEM((2, _C, _D), jnp.float32),
            pltpu.VMEM((2, _C, _D), jnp.float32),
            pltpu.VMEM((2, _C, _D), jnp.float32),
            pltpu.VMEM((_LANE,), jnp.float32),
            pltpu.SemaphoreType.DMA,
            pltpu.SemaphoreType.DMA,
            pltpu.SemaphoreType.DMA,
            pltpu.SemaphoreType.DMA,
            pltpu.SemaphoreType.DMA,
            pltpu.SemaphoreType.DMA,
            pltpu.SemaphoreType.DMA,
            pltpu.SemaphoreType.DMA,
        ],
    )(x, perm3, alpha1)


def kernel(x, perm, alpha):
    perm3 = perm.astype(jnp.int32).reshape(_NW, _NCHUNK, _C)
    alpha1 = jnp.full((_LANE,), alpha, jnp.float32)
    return _mix(x, perm3, alpha1)

# --- scband reference (transcript-rebuilt; emitter-appended) ---
"""Pipeline reference for scband-mix-random-43190191128956 (READ-ONLY COPY).

The authoritative reference and input builder live on the scoring server;
editing this copy changes nothing except your own understanding.
"""

import jax, jax.numpy as jnp
import numpy as np

N = 16384
D = 128

def setup_inputs(seed: int = 0) -> dict:
    key = jax.random.key(seed)
    x = jax.random.normal(key, (N, D), dtype=jnp.float32)
    # torch.randperm equivalent: a fixed random permutation of row indices
    perm = jax.random.permutation(jax.random.fold_in(key, 1), N)
    # np.random.beta(5, 2) with a fixed seed for determinism
    alpha = jnp.float32(np.random.default_rng(0).beta(5.0, 2.0))
    return {"x": x, "perm": perm, "alpha": alpha}

def reference(x, perm, alpha):
    # mix_random: alpha * x + (1 - alpha) * x[perm, ...]
    x_perm = jnp.take(x, perm, axis=0)
    return alpha * x + (jnp.float32(1.0) - alpha) * x_perm

if __name__ == "__main__":
    import jax
    _d = setup_inputs()
    print(jax.jit(kernel)(*tuple(_d.values())))

</pallas_src>

<mosaic_0001>
#map = affine_map<(d0, d1) -> (0, 0)>
#map1 = affine_map<(d0, d1) -> (0, 0, 0)>
#map2 = affine_map<(d0, d1) -> (0)>
module attributes {stable_mosaic.version = 14 : i64} {
  func.func @_mix_body(%arg0: i32, %arg1: i32, %arg2: memref<16384x128xf32, #tpu.memory_space<hbm>>, %arg3: memref<32x4x128xi32, #tpu.memory_space<hbm>>, %arg4: memref<16xf32, #tpu.memory_space<hbm>>, %arg5: memref<16384x128xf32, #tpu.memory_space<hbm>>, %arg6: memref<4x128xi32, #tpu.memory_space<vmem>>, %arg7: memref<2x128x128xf32, #tpu.memory_space<vmem>>, %arg8: memref<2x128x128xf32, #tpu.memory_space<vmem>>, %arg9: memref<2x128x128xf32, #tpu.memory_space<vmem>>, %arg10: memref<16xf32, #tpu.memory_space<vmem>>, %arg11: memref<!tpu.dma_semaphore, #tpu.memory_space<semaphore_mem>>, %arg12: memref<!tpu.dma_semaphore, #tpu.memory_space<semaphore_mem>>, %arg13: memref<!tpu.dma_semaphore, #tpu.memory_space<semaphore_mem>>, %arg14: memref<!tpu.dma_semaphore, #tpu.memory_space<semaphore_mem>>, %arg15: memref<!tpu.dma_semaphore, #tpu.memory_space<semaphore_mem>>, %arg16: memref<!tpu.dma_semaphore, #tpu.memory_space<semaphore_mem>>, %arg17: memref<!tpu.dma_semaphore, #tpu.memory_space<semaphore_mem>>, %arg18: memref<!tpu.dma_semaphore, #tpu.memory_space<semaphore_mem>>) attributes {dimension_semantics = [#tpu.dimension_semantics<core_parallel>, #tpu.dimension_semantics<subcore_parallel>], iteration_bounds = array<i64: 2, 16>, scalar_prefetch = 0 : i64, scratch_operands = 13 : i64, tpu.core_type = #tpu.core_type<sc_vector_subcore>, window_params = [{transform_indices = #map}, {transform_indices = #map1}, {transform_indices = #map2}, {transform_indices = #map}]} {
    %mul3A = arith.constant 2 : i32
    %mul3A_0 = arith.muli %arg1, %mul3A : i32
    %add3A = arith.addi %mul3A_0, %arg0 : i32
    %mul3A_1 = arith.constant 512 : i32
    %mul3A_2 = arith.muli %add3A, %mul3A_1 : i32
    tpu.enqueue_dma source(%arg4 : memref<16xf32, #tpu.memory_space<hbm>>) target(%arg10 : memref<16xf32, #tpu.memory_space<vmem>>) target_semaphore(%arg11 : memref<!tpu.dma_semaphore, #tpu.memory_space<semaphore_mem>>)
    %dma_start3A = arith.constant 0 : i32
    %dma_start3A_3 = arith.constant 0 : i32
    %dma_start3A_4 = tpu.memref_slice %arg3[%add3A, %dma_start3A, %dma_start3A_3] : memref<32x4x128xi32, #tpu.memory_space<hbm>> -> memref<1x4x128xi32, #tpu.memory_space<hbm>>
    %dma_start3A_5 = tpu.memref_squeeze %dma_start3A_4 : memref<1x4x128xi32, #tpu.memory_space<hbm>> -> memref<4x128xi32, #tpu.memory_space<hbm>>
    %dma_start3A_6 = arith.constant 0 : i32
    %dma_start3A_7 = arith.constant 0 : i32
    %dma_start3A_8 = tpu.memref_slice %arg3[%add3A, %dma_start3A_6, %dma_start3A_7] : memref<32x4x128xi32, #tpu.memory_space<hbm>> -> memref<1x4x128xi32, #tpu.memory_space<hbm>>
    %dma_start3A_9 = tpu.memref_squeeze %dma_start3A_8 : memref<1x4x128xi32, #tpu.memory_space<hbm>> -> memref<4x128xi32, #tpu.memory_space<hbm>>
    tpu.enqueue_dma source(%dma_start3A_9 : memref<4x128xi32, #tpu.memory_space<hbm>>) target(%arg6 : memref<4x128xi32, #tpu.memory_space<vmem>>) target_semaphore(%arg12 : memref<!tpu.dma_semaphore, #tpu.memory_space<semaphore_mem>>)
    %add3A_10 = arith.constant 0 : i32
    %add3A_11 = arith.addi %mul3A_2, %add3A_10 : i32
    %dma_start3A_12 = arith.constant 0 : i32
    %dma_start3A_13 = arith.constant 0 : i32
    %dma_start3A_14 = arith.constant 0 : i32
    %dma_start3A_15 = tpu.memref_slice %arg7[%dma_start3A_12, %dma_start3A_13, %dma_start3A_14] : memref<2x128x128xf32, #tpu.memory_space<vmem>> -> memref<1x128x128xf32, #tpu.memory_space<vmem>>
    %dma_start3A_16 = tpu.memref_squeeze %dma_start3A_15 : memref<1x128x128xf32, #tpu.memory_space<vmem>> -> memref<128x128xf32, #tpu.memory_space<vmem>>
    %dma_start3A_17 = arith.constant 0 : i32
    %dma_start3A_18 = tpu.memref_slice %arg2[%add3A_11, %dma_start3A_17] : memref<16384x128xf32, #tpu.memory_space<hbm>> -> memref<128x128xf32, #tpu.memory_space<hbm>>
    %dma_start3A_19 = arith.constant 0 : i32
    %dma_start3A_20 = arith.constant 0 : i32
    %dma_start3A_21 = tpu.memref_slice %arg7[%dma_start3A_12, %dma_start3A_19, %dma_start3A_20] : memref<2x128x128xf32, #tpu.memory_space<vmem>> -> memref<1x128x128xf32, #tpu.memory_space<vmem>>
    %dma_start3A_22 = tpu.memref_squeeze %dma_start3A_21 : memref<1x128x128xf32, #tpu.memory_space<vmem>> -> memref<128x128xf32, #tpu.memory_space<vmem>>
    %dma_start3A_23 = arith.constant 0 : i32
    %dma_start3A_24 = tpu.memref_slice %arg2[%add3A_11, %dma_start3A_23] : memref<16384x128xf32, #tpu.memory_space<hbm>> -> memref<128x128xf32, #tpu.memory_space<hbm>>
    tpu.enqueue_dma source(%dma_start3A_24 : memref<128x128xf32, #tpu.memory_space<hbm>>) target(%dma_start3A_22 : memref<128x128xf32, #tpu.memory_space<vmem>>) target_semaphore(%arg15 : memref<!tpu.dma_semaphore, #tpu.memory_space<semaphore_mem>>)
    %add3A_25 = arith.constant 128 : i32
    %add3A_26 = arith.addi %mul3A_2, %add3A_25 : i32
    %dma_start3A_27 = arith.constant 1 : i32
    %dma_start3A_28 = arith.constant 0 : i32
    %dma_start3A_29 = arith.constant 0 : i32
    %dma_start3A_30 = tpu.memref_slice %arg7[%dma_start3A_27, %dma_start3A_28, %dma_start3A_29] : memref<2x128x128xf32, #tpu.memory_space<vmem>> -> memref<1x128x128xf32, #tpu.memory_space<vmem>>
    %dma_start3A_31 = tpu.memref_squeeze %dma_start3A_30 : memref<1x128x128xf32, #tpu.memory_space<vmem>> -> memref<128x128xf32, #tpu.memory_space<vmem>>
    %dma_start3A_32 = arith.constant 0 : i32
    %dma_start3A_33 = tpu.memref_slice %arg2[%add3A_26, %dma_start3A_32] : memref<16384x128xf32, #tpu.memory_space<hbm>> -> memref<128x128xf32, #tpu.memory_space<hbm>>
    %dma_start3A_34 = arith.constant 0 : i32
    %dma_start3A_35 = arith.constant 0 : i32
    %dma_start3A_36 = tpu.memref_slice %arg7[%dma_start3A_27, %dma_start3A_34, %dma_start3A_35] : memref<2x128x128xf32, #tpu.memory_space<vmem>> -> memref<1x128x128xf32, #tpu.memory_space<vmem>>
    %dma_start3A_37 = tpu.memref_squeeze %dma_start3A_36 : memref<1x128x128xf32, #tpu.memory_space<vmem>> -> memref<128x128xf32, #tpu.memory_space<vmem>>
    %dma_start3A_38 = arith.constant 0 : i32
    %dma_start3A_39 = tpu.memref_slice %arg2[%add3A_26, %dma_start3A_38] : memref<16384x128xf32, #tpu.memory_space<hbm>> -> memref<128x128xf32, #tpu.memory_space<hbm>>
    tpu.enqueue_dma source(%dma_start3A_39 : memref<128x128xf32, #tpu.memory_space<hbm>>) target(%dma_start3A_37 : memref<128x128xf32, #tpu.memory_space<vmem>>) target_semaphore(%arg16 : memref<!tpu.dma_semaphore, #tpu.memory_space<semaphore_mem>>)
    %dma_wait3A = arith.constant 0 : i32
    %dma_wait3A_40 = arith.constant 0 : i32
    %dma_wait3A_41 = tpu.memref_slice %arg3[%add3A, %dma_wait3A, %dma_wait3A_40] : memref<32x4x128xi32, #tpu.memory_space<hbm>> -> memref<1x4x128xi32, #tpu.memory_space<hbm>>
    %dma_wait3A_42 = tpu.memref_squeeze %dma_wait3A_41 : memref<1x4x128xi32, #tpu.memory_space<hbm>> -> memref<4x128xi32, #tpu.memory_space<hbm>>
    %dma_wait3A_43 = arith.constant 0 : i32
    %dma_wait3A_44 = arith.constant 0 : i32
    %dma_wait3A_45 = tpu.memref_slice %arg3[%add3A, %dma_wait3A_43, %dma_wait3A_44] : memref<32x4x128xi32, #tpu.memory_space<hbm>> -> memref<1x4x128xi32, #tpu.memory_space<hbm>>
    %dma_wait3A_46 = tpu.memref_squeeze %dma_wait3A_45 : memref<1x4x128xi32, #tpu.memory_space<hbm>> -> memref<4x128xi32, #tpu.memory_space<hbm>>
    tpu.wait_dma2 semaphore(%arg12 : memref<!tpu.dma_semaphore, #tpu.memory_space<semaphore_mem>>) src(%dma_wait3A_46 : memref<4x128xi32, #tpu.memory_space<hbm>>) dst(%arg6 : memref<4x128xi32, #tpu.memory_space<vmem>>)
    %dma_start3A_47 = arith.constant 0 : i32
    %dma_start3A_48 = arith.constant 0 : i32
    %dma_start3A_49 = arith.constant 0 : i32
    %dma_start3A_50 = arith.constant 0 : i32
    %dma_start3A_51 = tpu.memref_slice %arg8[%dma_start3A_48, %dma_start3A_49, %dma_start3A_50] : memref<2x128x128xf32, #tpu.memory_space<vmem>> -> memref<1x128x128xf32, #tpu.memory_space<vmem>>
    %dma_start3A_52 = tpu.memref_squeeze %dma_start3A_51 : memref<1x128x128xf32, #tpu.memory_space<vmem>> -> memref<128x128xf32, #tpu.memory_space<vmem>>
    %dma_start3A_53 = arith.constant 0 : i32
    %dma_start3A_54 = tpu.memref_slice %arg6[%dma_start3A_47, %dma_start3A_53] : memref<4x128xi32, #tpu.memory_space<vmem>> -> memref<1x128xi32, #tpu.memory_space<vmem>>
    %dma_start3A_55 = tpu.memref_squeeze %dma_start3A_54 : memref<1x128xi32, #tpu.memory_space<vmem>> -> memref<128xi32, #tpu.memory_space<vmem>>
    %dma_start3A_56 = arith.constant 0 : i32
    %dma_start3A_57 = arith.constant 0 : i32
    %dma_start3A_58 = tpu.memref_slice %arg2[%dma_start3A_56, %dma_start3A_57] : memref<16384x128xf32, #tpu.memory_space<hbm>> -> memref<16384x128xf32, #tpu.memory_space<hbm>>
    tpu.enqueue_indirect_dma source(%dma_start3A_58 : memref<16384x128xf32, #tpu.memory_space<hbm>>) target(%dma_start3A_52 : memref<128x128xf32, #tpu.memory_space<vmem>>) offsets(%dma_start3A_55 : memref<128xi32, #tpu.memory_space<vmem>>) semaphore(%arg13 : memref<!tpu.dma_semaphore, #tpu.memory_space<semaphore_mem>>)
    %dma_start3A_59 = arith.constant 1 : i32
    %dma_start3A_60 = arith.constant 1 : i32
    %dma_start3A_61 = arith.constant 0 : i32
    %dma_start3A_62 = arith.constant 0 : i32
    %dma_start3A_63 = tpu.memref_slice %arg8[%dma_start3A_60, %dma_start3A_61, %dma_start3A_62] : memref<2x128x128xf32, #tpu.memory_space<vmem>> -> memref<1x128x128xf32, #tpu.memory_space<vmem>>
    %dma_start3A_64 = tpu.memref_squeeze %dma_start3A_63 : memref<1x128x128xf32, #tpu.memory_space<vmem>> -> memref<128x128xf32, #tpu.memory_space<vmem>>
    %dma_start3A_65 = arith.constant 0 : i32
    %dma_start3A_66 = tpu.memref_slice %arg6[%dma_start3A_59, %dma_start3A_65] : memref<4x128xi32, #tpu.memory_space<vmem>> -> memref<1x128xi32, #tpu.memory_space<vmem>>
    %dma_start3A_67 = tpu.memref_squeeze %dma_start3A_66 : memref<1x128xi32, #tpu.memory_space<vmem>> -> memref<128xi32, #tpu.memory_space<vmem>>
    %dma_start3A_68 = arith.constant 0 : i32
    %dma_start3A_69 = arith.constant 0 : i32
    %dma_start3A_70 = tpu.memref_slice %arg2[%dma_start3A_68, %dma_start3A_69] : memref<16384x128xf32, #tpu.memory_space<hbm>> -> memref<16384x128xf32, #tpu.memory_space<hbm>>
    tpu.enqueue_indirect_dma source(%dma_start3A_70 : memref<16384x128xf32, #tpu.memory_space<hbm>>) target(%dma_start3A_64 : memref<128x128xf32, #tpu.memory_space<vmem>>) offsets(%dma_start3A_67 : memref<128xi32, #tpu.memory_space<vmem>>) semaphore(%arg14 : memref<!tpu.dma_semaphore, #tpu.memory_space<semaphore_mem>>)
    tpu.wait_dma2 semaphore(%arg11 : memref<!tpu.dma_semaphore, #tpu.memory_space<semaphore_mem>>) src(%arg4 : memref<16xf32, #tpu.memory_space<hbm>>) dst(%arg10 : memref<16xf32, #tpu.memory_space<vmem>>)
    %get3A = arith.constant 0 : index
    %get3A_71 = tpu.vector_load %arg10[%get3A] {strides = array<i32>} : memref<16xf32, #tpu.memory_space<vmem>>, vector<16xf32>,
    %get3A_72 = vector.shape_cast %get3A_71 : vector<16xf32> to vector<16xf32>
    %sub3A = arith.constant 1.000000e+00 : f32
    %sub3A_73 = vector.broadcast %sub3A : f32 to vector<16xf32>
    %sub3A_74 = arith.subf %sub3A_73, %get3A_72 : vector<16xf32>
    %dma_wait3A_75 = arith.constant 0 : i32
    %dma_wait3A_76 = arith.constant 0 : i32
    %dma_wait3A_77 = arith.constant 0 : i32
    %dma_wait3A_78 = arith.constant 0 : i32
    %dma_wait3A_79 = tpu.memref_slice %arg8[%dma_wait3A_76, %dma_wait3A_77, %dma_wait3A_78] : memref<2x128x128xf32, #tpu.memory_space<vmem>> -> memref<1x128x128xf32, #tpu.memory_space<vmem>>
    %dma_wait3A_80 = tpu.memref_squeeze %dma_wait3A_79 : memref<1x128x128xf32, #tpu.memory_space<vmem>> -> memref<128x128xf32, #tpu.memory_space<vmem>>
    %dma_wait3A_81 = arith.constant 0 : i32
    %dma_wait3A_82 = tpu.memref_slice %arg6[%dma_wait3A_75, %dma_wait3A_81] : memref<4x128xi32, #tpu.memory_space<vmem>> -> memref<1x128xi32, #tpu.memory_space<vmem>>
    %dma_wait3A_83 = tpu.memref_squeeze %dma_wait3A_82 : memref<1x128xi32, #tpu.memory_space<vmem>> -> memref<128xi32, #tpu.memory_space<vmem>>
    %dma_wait3A_84 = arith.constant 0 : i32
    %dma_wait3A_85 = arith.constant 0 : i32
    %dma_wait3A_86 = tpu.memref_slice %arg2[%dma_wait3A_84, %dma_wait3A_85] : memref<16384x128xf32, #tpu.memory_space<hbm>> -> memref<16384x128xf32, #tpu.memory_space<hbm>>
    tpu.wait_indirect_dma semaphore(%arg13 : memref<!tpu.dma_semaphore, #tpu.memory_space<semaphore_mem>>) src(%dma_wait3A_86 : memref<16384x128xf32, #tpu.memory_space<hbm>>) dst(%dma_wait3A_80 : memref<128x128xf32, #tpu.memory_space<vmem>>)
    %dma_wait3A_87 = arith.constant 0 : i32
    %dma_wait3A_88 = arith.constant 0 : i32
    %dma_wait3A_89 = arith.constant 0 : i32
    %dma_wait3A_90 = tpu.memref_slice %arg7[%dma_wait3A_87, %dma_wait3A_88, %dma_wait3A_89] : memref<2x128x128xf32, #tpu.memory_space<vmem>> -> memref<1x128x128xf32, #tpu.memory_space<vmem>>
    %dma_wait3A_91 = tpu.memref_squeeze %dma_wait3A_90 : memref<1x128x128xf32, #tpu.memory_space<vmem>> -> memref<128x128xf32, #tpu.memory_space<vmem>>
    %dma_wait3A_92 = arith.constant 0 : i32
    %dma_wait3A_93 = tpu.memref_slice %arg2[%add3A_11, %dma_wait3A_92] : memref<16384x128xf32, #tpu.memory_space<hbm>> -> memref<128x128xf32, #tpu.memory_space<hbm>>
    %dma_wait3A_94 = arith.constant 0 : i32
    %dma_wait3A_95 = arith.constant 0 : i32
    %dma_wait3A_96 = tpu.memref_slice %arg7[%dma_wait3A_87, %dma_wait3A_94, %dma_wait3A_95] : memref<2x128x128xf32, #tpu.memory_space<vmem>> -> memref<1x128x128xf32, #tpu.memory_space<vmem>>
    %dma_wait3A_97 = tpu.memref_squeeze %dma_wait3A_96 : memref<1x128x128xf32, #tpu.memory_space<vmem>> -> memref<128x128xf32, #tpu.memory_space<vmem>>
    %dma_wait3A_98 = arith.constant 0 : i32
    %dma_wait3A_99 = tpu.memref_slice %arg2[%add3A_11, %dma_wait3A_98] : memref<16384x128xf32, #tpu.memory_space<hbm>> -> memref<128x128xf32, #tpu.memory_space<hbm>>
    tpu.wait_dma2 semaphore(%arg15 : memref<!tpu.dma_semaphore, #tpu.memory_space<semaphore_mem>>) src(%dma_wait3A_99 : memref<128x128xf32, #tpu.memory_space<hbm>>) dst(%dma_wait3A_97 : memref<128x128xf32, #tpu.memory_space<vmem>>)
    %scan3A = arith.constant 0 : i32
    %scan3A_100 = arith.constant 0 : i32
    %scan3A_101 = arith.constant 128 : i32
    %scan3A_102 = arith.addi %scan3A_100, %scan3A_101 : i32
    %scan3A_103 = arith.constant 1 : i32
    scf.for %scan3A_364 = %scan3A_100 to %scan3A_102 step %scan3A_103  : i32 {
      %get3A_365 = arith.constant 0 : i32
      %get3A_366 = arith.index_cast %get3A_365 : i32 to index
      %get3A_367 = arith.index_cast %scan3A_364 : i32 to index
      %get3A_368 = arith.constant 0 : index
      %get3A_369 = tpu.vector_load %arg7[%get3A_366, %get3A_367, %get3A_368] {strides = array<i32>} : memref<2x128x128xf32, #tpu.memory_space<vmem>>, vector<1x1x16xf32>,
      %get3A_370 = vector.shape_cast %get3A_369 : vector<1x1x16xf32> to vector<16xf32>
      %mul3A_371 = arith.mulf %get3A_72, %get3A_370 : vector<16xf32>
      %get3A_372 = arith.constant 0 : i32
      %get3A_373 = arith.index_cast %get3A_372 : i32 to index
      %get3A_374 = arith.index_cast %scan3A_364 : i32 to index
      %get3A_375 = arith.constant 0 : index
      %get3A_376 = tpu.vector_load %arg8[%get3A_373, %get3A_374, %get3A_375] {strides = array<i32>} : memref<2x128x128xf32, #tpu.memory_space<vmem>>, vector<1x1x16xf32>,
      %get3A_377 = vector.shape_cast %get3A_376 : vector<1x1x16xf32> to vector<16xf32>
      %mul3A_378 = arith.mulf %sub3A_74, %get3A_377 : vector<16xf32>
      %add3A_379 = arith.addf %mul3A_371, %mul3A_378 : vector<16xf32>
      %swap3A = arith.constant 0 : i32
      %swap3A_380 = arith.index_cast %swap3A : i32 to index
      %swap3A_381 = arith.index_cast %scan3A_364 : i32 to index
      %swap3A_382 = arith.constant 0 : index
      %swap3A_383 = tpu.vector_load %arg9[%swap3A_380, %swap3A_381, %swap3A_382] {strides = array<i32>} : memref<2x128x128xf32, #tpu.memory_space<vmem>>, vector<1x1x16xf32>,
      %swap3A_384 = vector.shape_cast %swap3A_383 : vector<1x1x16xf32> to vector<16xf32>
      %swap3A_385 = vector.shape_cast %add3A_379 : vector<16xf32> to vector<1x1x16xf32>
      tpu.vector_store %arg9[%swap3A_380, %swap3A_381, %swap3A_382], %swap3A_385 {strides = array<i32>} : memref<2x128x128xf32, #tpu.memory_space<vmem>>, vector<1x1x16xf32>,
      %get3A_386 = arith.constant 0 : i32
      %get3A_387 = arith.index_cast %get3A_386 : i32 to index
      %get3A_388 = arith.index_cast %scan3A_364 : i32 to index
      %get3A_389 = arith.constant 16 : index
      %get3A_390 = tpu.vector_load %arg7[%get3A_387, %get3A_388, %get3A_389] {strides = array<i32>} : memref<2x128x128xf32, #tpu.memory_space<vmem>>, vector<1x1x16xf32>,
      %get3A_391 = vector.shape_cast %get3A_390 : vector<1x1x16xf32> to vector<16xf32>
      %mul3A_392 = arith.mulf %get3A_72, %get3A_391 : vector<16xf32>
      %get3A_393 = arith.constant 0 : i32
      %get3A_394 = arith.index_cast %get3A_393 : i32 to index
      %get3A_395 = arith.index_cast %scan3A_364 : i32 to index
      %get3A_396 = arith.constant 16 : index
      %get3A_397 = tpu.vector_load %arg8[%get3A_394, %get3A_395, %get3A_396] {strides = array<i32>} : memref<2x128x128xf32, #tpu.memory_space<vmem>>, vector<1x1x16xf32>,
      %get3A_398 = vector.shape_cast %get3A_397 : vector<1x1x16xf32> to vector<16xf32>
      %mul3A_399 = arith.mulf %sub3A_74, %get3A_398 : vector<16xf32>
      %add3A_400 = arith.addf %mul3A_392, %mul3A_399 : vector<16xf32>
      %swap3A_401 = arith.constant 0 : i32
      %swap3A_402 = arith.index_cast %swap3A_401 : i32 to index
      %swap3A_403 = arith.index_cast %scan3A_364 : i32 to index
      %swap3A_404 = arith.constant 16 : index
      %swap3A_405 = tpu.vector_load %arg9[%swap3A_402, %swap3A_403, %swap3A_404] {strides = array<i32>} : memref<2x128x128xf32, #tpu.memory_space<vmem>>, vector<1x1x16xf32>,
      %swap3A_406 = vector.shape_cast %swap3A_405 : vector<1x1x16xf32> to vector<16xf32>
      %swap3A_407 = vector.shape_cast %add3A_400 : vector<16xf32> to vector<1x1x16xf32>
      tpu.vector_store %arg9[%swap3A_402, %swap3A_403, %swap3A_404], %swap3A_407 {strides = array<i32>} : memref<2x128x128xf32, #tpu.memory_space<vmem>>, vector<1x1x16xf32>,
      %get3A_408 = arith.constant 0 : i32
      %get3A_409 = arith.index_cast %get3A_408 : i32 to index
      %get3A_410 = arith.index_cast %scan3A_364 : i32 to index
      %get3A_411 = arith.constant 32 : index
      %get3A_412 = tpu.vector_load %arg7[%get3A_409, %get3A_410, %get3A_411] {strides = array<i32>} : memref<2x128x128xf32, #tpu.memory_space<vmem>>, vector<1x1x16xf32>,
      %get3A_413 = vector.shape_cast %get3A_412 : vector<1x1x16xf32> to vector<16xf32>
      %mul3A_414 = arith.mulf %get3A_72, %get3A_413 : vector<16xf32>
      %get3A_415 = arith.constant 0 : i32
      %get3A_416 = arith.index_cast %get3A_415 : i32 to index
      %get3A_417 = arith.index_cast %scan3A_364 : i32 to index
      %get3A_418 = arith.constant 32 : index
      %get3A_419 = tpu.vector_load %arg8[%get3A_416, %get3A_417, %get3A_418] {strides = array<i32>} : memref<2x128x128xf32, #tpu.memory_space<vmem>>, vector<1x1x16xf32>,
      %get3A_420 = vector.shape_cast %get3A_419 : vector<1x1x16xf32> to vector<16xf32>
      %mul3A_421 = arith.mulf %sub3A_74, %get3A_420 : vector<16xf32>
      %add3A_422 = arith.addf %mul3A_414, %mul3A_421 : vector<16xf32>
      %swap3A_423 = arith.constant 0 : i32
      %swap3A_424 = arith.index_cast %swap3A_423 : i32 to index
      %swap3A_425 = arith.index_cast %scan3A_364 : i32 to index
      %swap3A_426 = arith.constant 32 : index
      %swap3A_427 = tpu.vector_load %arg9[%swap3A_424, %swap3A_425, %swap3A_426] {strides = array<i32>} : memref<2x128x128xf32, #tpu.memory_space<vmem>>, vector<1x1x16xf32>,
      %swap3A_428 = vector.shape_cast %swap3A_427 : vector<1x1x16xf32> to vector<16xf32>
      %swap3A_429 = vector.shape_cast %add3A_422 : vector<16xf32> to vector<1x1x16xf32>
      tpu.vector_store %arg9[%swap3A_424, %swap3A_425, %swap3A_426], %swap3A_429 {strides = array<i32>} : memref<2x128x128xf32, #tpu.memory_space<vmem>>, vector<1x1x16xf32>,
      %get3A_430 = arith.constant 0 : i32
      %get3A_431 = arith.index_cast %get3A_430 : i32 to index
      %get3A_432 = arith.index_cast %scan3A_364 : i32 to index
      %get3A_433 = arith.constant 48 : index
      %get3A_434 = tpu.vector_load %arg7[%get3A_431, %get3A_432, %get3A_433] {strides = array<i32>} : memref<2x128x128xf32, #tpu.memory_space<vmem>>, vector<1x1x16xf32>,
      %get3A_435 = vector.shape_cast %get3A_434 : vector<1x1x16xf32> to vector<16xf32>
      %mul3A_436 = arith.mulf %get3A_72, %get3A_435 : vector<16xf32>
      %get3A_437 = arith.constant 0 : i32
      %get3A_438 = arith.index_cast %get3A_437 : i32 to index
      %get3A_439 = arith.index_cast %scan3A_364 : i32 to index
      %get3A_440 = arith.constant 48 : index
      %get3A_441 = tpu.vector_load %arg8[%get3A_438, %get3A_439, %get3A_440] {strides = array<i32>} : memref<2x128x128xf32, #tpu.memory_space<vmem>>, vector<1x1x16xf32>,
      %get3A_442 = vector.shape_cast %get3A_441 : vector<1x1x16xf32> to vector<16xf32>
      %mul3A_443 = arith.mulf %sub3A_74, %get3A_442 : vector<16xf32>
      %add3A_444 = arith.addf %mul3A_436, %mul3A_443 : vector<16xf32>
      %swap3A_445 = arith.constant 0 : i32
      %swap3A_446 = arith.index_cast %swap3A_445 : i32 to index
      %swap3A_447 = arith.index_cast %scan3A_364 : i32 to index
      %swap3A_448 = arith.constant 48 : index
      %swap3A_449 = tpu.vector_load %arg9[%swap3A_446, %swap3A_447, %swap3A_448] {strides = array<i32>} : memref<2x128x128xf32, #tpu.memory_space<vmem>>, vector<1x1x16xf32>,
      %swap3A_450 = vector.shape_cast %swap3A_449 : vector<1x1x16xf32> to vector<16xf32>
      %swap3A_451 = vector.shape_cast %add3A_444 : vector<16xf32> to vector<1x1x16xf32>
      tpu.vector_store %arg9[%swap3A_446, %swap3A_447, %swap3A_448], %swap3A_451 {strides = array<i32>} : memref<2x128x128xf32, #tpu.memory_space<vmem>>, vector<1x1x16xf32>,
      %get3A_452 = arith.constant 0 : i32
      %get3A_453 = arith.index_cast %get3A_452 : i32 to index
      %get3A_454 = arith.index_cast %scan3A_364 : i32 to index
      %get3A_455 = arith.constant 64 : index
      %get3A_456 = tpu.vector_load %arg7[%get3A_453, %get3A_454, %get3A_455] {strides = array<i32>} : memref<2x128x128xf32, #tpu.memory_space<vmem>>, vector<1x1x16xf32>,
      %get3A_457 = vector.shape_cast %get3A_456 : vector<1x1x16xf32> to vector<16xf32>
      %mul3A_458 = arith.mulf %get3A_72, %get3A_457 : vector<16xf32>
      %get3A_459 = arith.constant 0 : i32
      %get3A_460 = arith.index_cast %get3A_459 : i32 to index
      %get3A_461 = arith.index_cast %scan3A_364 : i32 to index
      %get3A_462 = arith.constant 64 : index
      %get3A_463 = tpu.vector_load %arg8[%get3A_460, %get3A_461, %get3A_462] {strides = array<i32>} : memref<2x128x128xf32, #tpu.memory_space<vmem>>, vector<1x1x16xf32>,
      %get3A_464 = vector.shape_cast %get3A_463 : vector<1x1x16xf32> to vector<16xf32>
      %mul3A_465 = arith.mulf %sub3A_74, %get3A_464 : vector<16xf32>
      %add3A_466 = arith.addf %mul3A_458, %mul3A_465 : vector<16xf32>
      %swap3A_467 = arith.constant 0 : i32
      %swap3A_468 = arith.index_cast %swap3A_467 : i32 to index
      %swap3A_469 = arith.index_cast %scan3A_364 : i32 to index
      %swap3A_470 = arith.constant 64 : index
      %swap3A_471 = tpu.vector_load %arg9[%swap3A_468, %swap3A_469, %swap3A_470] {strides = array<i32>} : memref<2x128x128xf32, #tpu.memory_space<vmem>>, vector<1x1x16xf32>,
      %swap3A_472 = vector.shape_cast %swap3A_471 : vector<1x1x16xf32> to vector<16xf32>
      %swap3A_473 = vector.shape_cast %add3A_466 : vector<16xf32> to vector<1x1x16xf32>
      tpu.vector_store %arg9[%swap3A_468, %swap3A_469, %swap3A_470], %swap3A_473 {strides = array<i32>} : memref<2x128x128xf32, #tpu.memory_space<vmem>>, vector<1x1x16xf32>,
      %get3A_474 = arith.constant 0 : i32
      %get3A_475 = arith.index_cast %get3A_474 : i32 to index
      %get3A_476 = arith.index_cast %scan3A_364 : i32 to index
      %get3A_477 = arith.constant 80 : index
      %get3A_478 = tpu.vector_load %arg7[%get3A_475, %get3A_476, %get3A_477] {strides = array<i32>} : memref<2x128x128xf32, #tpu.memory_space<vmem>>, vector<1x1x16xf32>,
      %get3A_479 = vector.shape_cast %get3A_478 : vector<1x1x16xf32> to vector<16xf32>
      %mul3A_480 = arith.mulf %get3A_72, %get3A_479 : vector<16xf32>
      %get3A_481 = arith.constant 0 : i32
      %get3A_482 = arith.index_cast %get3A_481 : i32 to index
      %get3A_483 = arith.index_cast %scan3A_364 : i32 to index
      %get3A_484 = arith.constant 80 : index
      %get3A_485 = tpu.vector_load %arg8[%get3A_482, %get3A_483, %get3A_484] {strides = array<i32>} : memref<2x128x128xf32, #tpu.memory_space<vmem>>, vector<1x1x16xf32>,
      %get3A_486 = vector.shape_cast %get3A_485 : vector<1x1x16xf32> to vector<16xf32>
      %mul3A_487 = arith.mulf %sub3A_74, %get3A_486 : vector<16xf32>
      %add3A_488 = arith.addf %mul3A_480, %mul3A_487 : vector<16xf32>
      %swap3A_489 = arith.constant 0 : i32
      %swap3A_490 = arith.index_cast %swap3A_489 : i32 to index
      %swap3A_491 = arith.index_cast %scan3A_364 : i32 to index
      %swap3A_492 = arith.constant 80 : index
      %swap3A_493 = tpu.vector_load %arg9[%swap3A_490, %swap3A_491, %swap3A_492] {strides = array<i32>} : memref<2x128x128xf32, #tpu.memory_space<vmem>>, vector<1x1x16xf32>,
      %swap3A_494 = vector.shape_cast %swap3A_493 : vector<1x1x16xf32> to vector<16xf32>
      %swap3A_495 = vector.shape_cast %add3A_488 : vector<16xf32> to vector<1x1x16xf32>
      tpu.vector_store %arg9[%swap3A_490, %swap3A_491, %swap3A_492], %swap3A_495 {strides = array<i32>} : memref<2x128x128xf32, #tpu.memory_space<vmem>>, vector<1x1x16xf32>,
      %get3A_496 = arith.constant 0 : i32
      %get3A_497 = arith.index_cast %get3A_496 : i32 to index
      %get3A_498 = arith.index_cast %scan3A_364 : i32 to index
      %get3A_499 = arith.constant 96 : index
      %get3A_500 = tpu.vector_load %arg7[%get3A_497, %get3A_498, %get3A_499] {strides = array<i32>} : memref<2x128x128xf32, #tpu.memory_space<vmem>>, vector<1x1x16xf32>,
      %get3A_501 = vector.shape_cast %get3A_500 : vector<1x1x16xf32> to vector<16xf32>
      %mul3A_502 = arith.mulf %get3A_72, %get3A_501 : vector<16xf32>
      %get3A_503 = arith.constant 0 : i32
      %get3A_504 = arith.index_cast %get3A_503 : i32 to index
      %get3A_505 = arith.index_cast %scan3A_364 : i32 to index
      %get3A_506 = arith.constant 96 : index
      %get3A_507 = tpu.vector_load %arg8[%get3A_504, %get3A_505, %get3A_506] {strides = array<i32>} : memref<2x128x128xf32, #tpu.memory_space<vmem>>, vector<1x1x16xf32>,
      %get3A_508 = vector.shape_cast %get3A_507 : vector<1x1x16xf32> to vector<16xf32>
      %mul3A_509 = arith.mulf %sub3A_74, %get3A_508 : vector<16xf32>
      %add3A_510 = arith.addf %mul3A_502, %mul3A_509 : vector<16xf32>
      %swap3A_511 = arith.constant 0 : i32
      %swap3A_512 = arith.index_cast %swap3A_511 : i32 to index
      %swap3A_513 = arith.index_cast %scan3A_364 : i32 to index
      %swap3A_514 = arith.constant 96 : index
      %swap3A_515 = tpu.vector_load %arg9[%swap3A_512, %swap3A_513, %swap3A_514] {strides = array<i32>} : memref<2x128x128xf32, #tpu.memory_space<vmem>>, vector<1x1x16xf32>,
      %swap3A_516 = vector.shape_cast %swap3A_515 : vector<1x1x16xf32> to vector<16xf32>
      %swap3A_517 = vector.shape_cast %add3A_510 : vector<16xf32> to vector<1x1x16xf32>
      tpu.vector_store %arg9[%swap3A_512, %swap3A_513, %swap3A_514], %swap3A_517 {strides = array<i32>} : memref<2x128x128xf32, #tpu.memory_space<vmem>>, vector<1x1x16xf32>,
      %get3A_518 = arith.constant 0 : i32
      %get3A_519 = arith.index_cast %get3A_518 : i32 to index
      %get3A_520 = arith.index_cast %scan3A_364 : i32 to index
      %get3A_521 = arith.constant 112 : index
      %get3A_522 = tpu.vector_load %arg7[%get3A_519, %get3A_520, %get3A_521] {strides = array<i32>} : memref<2x128x128xf32, #tpu.memory_space<vmem>>, vector<1x1x16xf32>,
      %get3A_523 = vector.shape_cast %get3A_522 : vector<1x1x16xf32> to vector<16xf32>
      %mul3A_524 = arith.mulf %get3A_72, %get3A_523 : vector<16xf32>
      %get3A_525 = arith.constant 0 : i32
      %get3A_526 = arith.index_cast %get3A_525 : i32 to index
      %get3A_527 = arith.index_cast %scan3A_364 : i32 to index
      %get3A_528 = arith.constant 112 : index
      %get3A_529 = tpu.vector_load %arg8[%get3A_526, %get3A_527, %get3A_528] {strides = array<i32>} : memref<2x128x128xf32, #tpu.memory_space<vmem>>, vector<1x1x16xf32>,
      %get3A_530 = vector.shape_cast %get3A_529 : vector<1x1x16xf32> to vector<16xf32>
      %mul3A_531 = arith.mulf %sub3A_74, %get3A_530 : vector<16xf32>
      %add3A_532 = arith.addf %mul3A_524, %mul3A_531 : vector<16xf32>
      %swap3A_533 = arith.constant 0 : i32
      %swap3A_534 = arith.index_cast %swap3A_533 : i32 to index
      %swap3A_535 = arith.index_cast %scan3A_364 : i32 to index
      %swap3A_536 = arith.constant 112 : index
      %swap3A_537 = tpu.vector_load %arg9[%swap3A_534, %swap3A_535, %swap3A_536] {strides = array<i32>} : memref<2x128x128xf32, #tpu.memory_space<vmem>>, vector<1x1x16xf32>,
      %swap3A_538 = vector.shape_cast %swap3A_537 : vector<1x1x16xf32> to vector<16xf32>
      %swap3A_539 = vector.shape_cast %add3A_532 : vector<16xf32> to vector<1x1x16xf32>
      tpu.vector_store %arg9[%swap3A_534, %swap3A_535, %swap3A_536], %swap3A_539 {strides = array<i32>} : memref<2x128x128xf32, #tpu.memory_space<vmem>>, vector<1x1x16xf32>,
    }
    %scan3A_104 = arith.constant 128 : i32
    %add3A_105 = arith.constant 0 : i32
    %add3A_106 = arith.addi %mul3A_2, %add3A_105 : i32
    %dma_start3A_107 = arith.constant 0 : i32
    %dma_start3A_108 = arith.constant 0 : i32
    %dma_start3A_109 = arith.constant 0 : i32
    %dma_start3A_110 = tpu.memref_slice %arg9[%dma_start3A_107, %dma_start3A_108, %dma_start3A_109] : memref<2x128x128xf32, #tpu.memory_space<vmem>> -> memref<1x128x128xf32, #tpu.memory_space<vmem>>
    %dma_start3A_111 = tpu.memref_squeeze %dma_start3A_110 : memref<1x128x128xf32, #tpu.memory_space<vmem>> -> memref<128x128xf32, #tpu.memory_space<vmem>>
    %dma_start3A_112 = arith.constant 0 : i32
    %dma_start3A_113 = tpu.memref_slice %arg5[%add3A_106, %dma_start3A_112] : memref<16384x128xf32, #tpu.memory_space<hbm>> -> memref<128x128xf32, #tpu.memory_space<hbm>>
    %dma_start3A_114 = arith.constant 0 : i32
    %dma_start3A_115 = tpu.memref_slice %arg5[%add3A_106, %dma_start3A_114] : memref<16384x128xf32, #tpu.memory_space<hbm>> -> memref<128x128xf32, #tpu.memory_space<hbm>>
    %dma_start3A_116 = arith.constant 0 : i32
    %dma_start3A_117 = arith.constant 0 : i32
    %dma_start3A_118 = tpu.memref_slice %arg9[%dma_start3A_107, %dma_start3A_116, %dma_start3A_117] : memref<2x128x128xf32, #tpu.memory_space<vmem>> -> memref<1x128x128xf32, #tpu.memory_space<vmem>>
    %dma_start3A_119 = tpu.memref_squeeze %dma_start3A_118 : memref<1x128x128xf32, #tpu.memory_space<vmem>> -> memref<128x128xf32, #tpu.memory_space<vmem>>
    tpu.enqueue_dma source(%dma_start3A_119 : memref<128x128xf32, #tpu.memory_space<vmem>>) target(%dma_start3A_115 : memref<128x128xf32, #tpu.memory_space<hbm>>) target_semaphore(%arg17 : memref<!tpu.dma_semaphore, #tpu.memory_space<semaphore_mem>>)
    %dma_start3A_120 = arith.constant 2 : i32
    %dma_start3A_121 = arith.constant 0 : i32
    %dma_start3A_122 = arith.constant 0 : i32
    %dma_start3A_123 = arith.constant 0 : i32
    %dma_start3A_124 = tpu.memref_slice %arg8[%dma_start3A_121, %dma_start3A_122, %dma_start3A_123] : memref<2x128x128xf32, #tpu.memory_space<vmem>> -> memref<1x128x128xf32, #tpu.memory_space<vmem>>
    %dma_start3A_125 = tpu.memref_squeeze %dma_start3A_124 : memref<1x128x128xf32, #tpu.memory_space<vmem>> -> memref<128x128xf32, #tpu.memory_space<vmem>>
    %dma_start3A_126 = arith.constant 0 : i32
    %dma_start3A_127 = tpu.memref_slice %arg6[%dma_start3A_120, %dma_start3A_126] : memref<4x128xi32, #tpu.memory_space<vmem>> -> memref<1x128xi32, #tpu.memory_space<vmem>>
    %dma_start3A_128 = tpu.memref_squeeze %dma_start3A_127 : memref<1x128xi32, #tpu.memory_space<vmem>> -> memref<128xi32, #tpu.memory_space<vmem>>
    %dma_start3A_129 = arith.constant 0 : i32
    %dma_start3A_130 = arith.constant 0 : i32
    %dma_start3A_131 = tpu.memref_slice %arg2[%dma_start3A_129, %dma_start3A_130] : memref<16384x128xf32, #tpu.memory_space<hbm>> -> memref<16384x128xf32, #tpu.memory_space<hbm>>
    tpu.enqueue_indirect_dma source(%dma_start3A_131 : memref<16384x128xf32, #tpu.memory_space<hbm>>) target(%dma_start3A_125 : memref<128x128xf32, #tpu.memory_space<vmem>>) offsets(%dma_start3A_128 : memref<128xi32, #tpu.memory_space<vmem>>) semaphore(%arg13 : memref<!tpu.dma_semaphore, #tpu.memory_space<semaphore_mem>>)
    %add3A_132 = arith.constant 256 : i32
    %add3A_133 = arith.addi %mul3A_2, %add3A_132 : i32
    %dma_start3A_134 = arith.constant 0 : i32
    %dma_start3A_135 = arith.constant 0 : i32
    %dma_start3A_136 = arith.constant 0 : i32
    %dma_start3A_137 = tpu.memref_slice %arg7[%dma_start3A_134, %dma_start3A_135, %dma_start3A_136] : memref<2x128x128xf32, #tpu.memory_space<vmem>> -> memref<1x128x128xf32, #tpu.memory_space<vmem>>
    %dma_start3A_138 = tpu.memref_squeeze %dma_start3A_137 : memref<1x128x128xf32, #tpu.memory_space<vmem>> -> memref<128x128xf32, #tpu.memory_space<vmem>>
    %dma_start3A_139 = arith.constant 0 : i32
    %dma_start3A_140 = tpu.memref_slice %arg2[%add3A_133, %dma_start3A_139] : memref<16384x128xf32, #tpu.memory_space<hbm>> -> memref<128x128xf32, #tpu.memory_space<hbm>>
    %dma_start3A_141 = arith.constant 0 : i32
    %dma_start3A_142 = arith.constant 0 : i32
    %dma_start3A_143 = tpu.memref_slice %arg7[%dma_start3A_134, %dma_start3A_141, %dma_start3A_142] : memref<2x128x128xf32, #tpu.memory_space<vmem>> -> memref<1x128x128xf32, #tpu.memory_space<vmem>>
    %dma_start3A_144 = tpu.memref_squeeze %dma_start3A_143 : memref<1x128x128xf32, #tpu.memory_space<vmem>> -> memref<128x128xf32, #tpu.memory_space<vmem>>
    %dma_start3A_145 = arith.constant 0 : i32
    %dma_start3A_146 = tpu.memref_slice %arg2[%add3A_133, %dma_start3A_145] : memref<16384x128xf32, #tpu.memory_space<hbm>> -> memref<128x128xf32, #tpu.memory_space<hbm>>
    tpu.enqueue_dma source(%dma_start3A_146 : memref<128x128xf32, #tpu.memory_space<hbm>>) target(%dma_start3A_144 : memref<128x128xf32, #tpu.memory_space<vmem>>) target_semaphore(%arg15 : memref<!tpu.dma_semaphore, #tpu.memory_space<semaphore_mem>>)
    %dma_wait3A_147 = arith.constant 1 : i32
    %dma_wait3A_148 = arith.constant 1 : i32
    %dma_wait3A_149 = arith.constant 0 : i32
    %dma_wait3A_150 = arith.constant 0 : i32
    %dma_wait3A_151 = tpu.memref_slice %arg8[%dma_wait3A_148, %dma_wait3A_149, %dma_wait3A_150] : memref<2x128x128xf32, #tpu.memory_space<vmem>> -> memref<1x128x128xf32, #tpu.memory_space<vmem>>
    %dma_wait3A_152 = tpu.memref_squeeze %dma_wait3A_151 : memref<1x128x128xf32, #tpu.memory_space<vmem>> -> memref<128x128xf32, #tpu.memory_space<vmem>>
    %dma_wait3A_153 = arith.constant 0 : i32
    %dma_wait3A_154 = tpu.memref_slice %arg6[%dma_wait3A_147, %dma_wait3A_153] : memref<4x128xi32, #tpu.memory_space<vmem>> -> memref<1x128xi32, #tpu.memory_space<vmem>>
    %dma_wait3A_155 = tpu.memref_squeeze %dma_wait3A_154 : memref<1x128xi32, #tpu.memory_space<vmem>> -> memref<128xi32, #tpu.memory_space<vmem>>
    %dma_wait3A_156 = arith.constant 0 : i32
    %dma_wait3A_157 = arith.constant 0 : i32
    %dma_wait3A_158 = tpu.memref_slice %arg2[%dma_wait3A_156, %dma_wait3A_157] : memref<16384x128xf32, #tpu.memory_space<hbm>> -> memref<16384x128xf32, #tpu.memory_space<hbm>>
    tpu.wait_indirect_dma semaphore(%arg14 : memref<!tpu.dma_semaphore, #tpu.memory_space<semaphore_mem>>) src(%dma_wait3A_158 : memref<16384x128xf32, #tpu.memory_space<hbm>>) dst(%dma_wait3A_152 : memref<128x128xf32, #tpu.memory_space<vmem>>)
    %dma_wait3A_159 = arith.constant 1 : i32
    %dma_wait3A_160 = arith.constant 0 : i32
    %dma_wait3A_161 = arith.constant 0 : i32
    %dma_wait3A_162 = tpu.memref_slice %arg7[%dma_wait3A_159, %dma_wait3A_160, %dma_wait3A_161] : memref<2x128x128xf32, #tpu.memory_space<vmem>> -> memref<1x128x128xf32, #tpu.memory_space<vmem>>
    %dma_wait3A_163 = tpu.memref_squeeze %dma_wait3A_162 : memref<1x128x128xf32, #tpu.memory_space<vmem>> -> memref<128x128xf32, #tpu.memory_space<vmem>>
    %dma_wait3A_164 = arith.constant 0 : i32
    %dma_wait3A_165 = tpu.memref_slice %arg2[%add3A_26, %dma_wait3A_164] : memref<16384x128xf32, #tpu.memory_space<hbm>> -> memref<128x128xf32, #tpu.memory_space<hbm>>
    %dma_wait3A_166 = arith.constant 0 : i32
    %dma_wait3A_167 = arith.constant 0 : i32
    %dma_wait3A_168 = tpu.memref_slice %arg7[%dma_wait3A_159, %dma_wait3A_166, %dma_wait3A_167] : memref<2x128x128xf32, #tpu.memory_space<vmem>> -> memref<1x128x128xf32, #tpu.memory_space<vmem>>
    %dma_wait3A_169 = tpu.memref_squeeze %dma_wait3A_168 : memref<1x128x128xf32, #tpu.memory_space<vmem>> -> memref<128x128xf32, #tpu.memory_space<vmem>>
    %dma_wait3A_170 = arith.constant 0 : i32
    %dma_wait3A_171 = tpu.memref_slice %arg2[%add3A_26, %dma_wait3A_170] : memref<16384x128xf32, #tpu.memory_space<hbm>> -> memref<128x128xf32, #tpu.memory_space<hbm>>
    tpu.wait_dma2 semaphore(%arg16 : memref<!tpu.dma_semaphore, #tpu.memory_space<semaphore_mem>>) src(%dma_wait3A_171 : memref<128x128xf32, #tpu.memory_space<hbm>>) dst(%dma_wait3A_169 : memref<128x128xf32, #tpu.memory_space<vmem>>)
    %scan3A_172 = arith.constant 0 : i32
    %scan3A_173 = arith.constant 0 : i32
    %scan3A_174 = arith.constant 128 : i32
    %scan3A_175 = arith.addi %scan3A_173, %scan3A_174 : i32
    %scan3A_176 = arith.constant 1 : i32
    scf.for %scan3A_364 = %scan3A_173 to %scan3A_175 step %scan3A_176  : i32 {
      %get3A_365 = arith.constant 1 : i32
      %get3A_366 = arith.index_cast %get3A_365 : i32 to index
      %get3A_367 = arith.index_cast %scan3A_364 : i32 to index
      %get3A_368 = arith.constant 0 : index
      %get3A_369 = tpu.vector_load %arg7[%get3A_366, %get3A_367, %get3A_368] {strides = array<i32>} : memref<2x128x128xf32, #tpu.memory_space<vmem>>, vector<1x1x16xf32>,
      %get3A_370 = vector.shape_cast %get3A_369 : vector<1x1x16xf32> to vector<16xf32>
      %mul3A_371 = arith.mulf %get3A_72, %get3A_370 : vector<16xf32>
      %get3A_372 = arith.constant 1 : i32
      %get3A_373 = arith.index_cast %get3A_372 : i32 to index
      %get3A_374 = arith.index_cast %scan3A_364 : i32 to index
      %get3A_375 = arith.constant 0 : index
      %get3A_376 = tpu.vector_load %arg8[%get3A_373, %get3A_374, %get3A_375] {strides = array<i32>} : memref<2x128x128xf32, #tpu.memory_space<vmem>>, vector<1x1x16xf32>,
      %get3A_377 = vector.shape_cast %get3A_376 : vector<1x1x16xf32> to vector<16xf32>
      %mul3A_378 = arith.mulf %sub3A_74, %get3A_377 : vector<16xf32>
      %add3A_379 = arith.addf %mul3A_371, %mul3A_378 : vector<16xf32>
      %swap3A = arith.constant 1 : i32
      %swap3A_380 = arith.index_cast %swap3A : i32 to index
      %swap3A_381 = arith.index_cast %scan3A_364 : i32 to index
      %swap3A_382 = arith.constant 0 : index
      %swap3A_383 = tpu.vector_load %arg9[%swap3A_380, %swap3A_381, %swap3A_382] {strides = array<i32>} : memref<2x128x128xf32, #tpu.memory_space<vmem>>, vector<1x1x16xf32>,
      %swap3A_384 = vector.shape_cast %swap3A_383 : vector<1x1x16xf32> to vector<16xf32>
      %swap3A_385 = vector.shape_cast %add3A_379 : vector<16xf32> to vector<1x1x16xf32>
      tpu.vector_store %arg9[%swap3A_380, %swap3A_381, %swap3A_382], %swap3A_385 {strides = array<i32>} : memref<2x128x128xf32, #tpu.memory_space<vmem>>, vector<1x1x16xf32>,
      %get3A_386 = arith.constant 1 : i32
      %get3A_387 = arith.index_cast %get3A_386 : i32 to index
      %get3A_388 = arith.index_cast %scan3A_364 : i32 to index
      %get3A_389 = arith.constant 16 : index
      %get3A_390 = tpu.vector_load %arg7[%get3A_387, %get3A_388, %get3A_389] {strides = array<i32>} : memref<2x128x128xf32, #tpu.memory_space<vmem>>, vector<1x1x16xf32>,
      %get3A_391 = vector.shape_cast %get3A_390 : vector<1x1x16xf32> to vector<16xf32>
      %mul3A_392 = arith.mulf %get3A_72, %get3A_391 : vector<16xf32>
      %get3A_393 = arith.constant 1 : i32
      %get3A_394 = arith.index_cast %get3A_393 : i32 to index
      %get3A_395 = arith.index_cast %scan3A_364 : i32 to index
      %get3A_396 = arith.constant 16 : index
      %get3A_397 = tpu.vector_load %arg8[%get3A_394, %get3A_395, %get3A_396] {strides = array<i32>} : memref<2x128x128xf32, #tpu.memory_space<vmem>>, vector<1x1x16xf32>,
      %get3A_398 = vector.shape_cast %get3A_397 : vector<1x1x16xf32> to vector<16xf32>
      %mul3A_399 = arith.mulf %sub3A_74, %get3A_398 : vector<16xf32>
      %add3A_400 = arith.addf %mul3A_392, %mul3A_399 : vector<16xf32>
      %swap3A_401 = arith.constant 1 : i32
      %swap3A_402 = arith.index_cast %swap3A_401 : i32 to index
      %swap3A_403 = arith.index_cast %scan3A_364 : i32 to index
      %swap3A_404 = arith.constant 16 : index
      %swap3A_405 = tpu.vector_load %arg9[%swap3A_402, %swap3A_403, %swap3A_404] {strides = array<i32>} : memref<2x128x128xf32, #tpu.memory_space<vmem>>, vector<1x1x16xf32>,
      %swap3A_406 = vector.shape_cast %swap3A_405 : vector<1x1x16xf32> to vector<16xf32>
      %swap3A_407 = vector.shape_cast %add3A_400 : vector<16xf32> to vector<1x1x16xf32>
      tpu.vector_store %arg9[%swap3A_402, %swap3A_403, %swap3A_404], %swap3A_407 {strides = array<i32>} : memref<2x128x128xf32, #tpu.memory_space<vmem>>, vector<1x1x16xf32>,
      %get3A_408 = arith.constant 1 : i32
      %get3A_409 = arith.index_cast %get3A_408 : i32 to index
      %get3A_410 = arith.index_cast %scan3A_364 : i32 to index
      %get3A_411 = arith.constant 32 : index
      %get3A_412 = tpu.vector_load %arg7[%get3A_409, %get3A_410, %get3A_411] {strides = array<i32>} : memref<2x128x128xf32, #tpu.memory_space<vmem>>, vector<1x1x16xf32>,
      %get3A_413 = vector.shape_cast %get3A_412 : vector<1x1x16xf32> to vector<16xf32>
      %mul3A_414 = arith.mulf %get3A_72, %get3A_413 : vector<16xf32>
      %get3A_415 = arith.constant 1 : i32
      %get3A_416 = arith.index_cast %get3A_415 : i32 to index
      %get3A_417 = arith.index_cast %scan3A_364 : i32 to index
      %get3A_418 = arith.constant 32 : index
      %get3A_419 = tpu.vector_load %arg8[%get3A_416, %get3A_417, %get3A_418] {strides = array<i32>} : memref<2x128x128xf32, #tpu.memory_space<vmem>>, vector<1x1x16xf32>,
      %get3A_420 = vector.shape_cast %get3A_419 : vector<1x1x16xf32> to vector<16xf32>
      %mul3A_421 = arith.mulf %sub3A_74, %get3A_420 : vector<16xf32>
      %add3A_422 = arith.addf %mul3A_414, %mul3A_421 : vector<16xf32>
      %swap3A_423 = arith.constant 1 : i32
      %swap3A_424 = arith.index_cast %swap3A_423 : i32 to index
      %swap3A_425 = arith.index_cast %scan3A_364 : i32 to index
      %swap3A_426 = arith.constant 32 : index
      %swap3A_427 = tpu.vector_load %arg9[%swap3A_424, %swap3A_425, %swap3A_426] {strides = array<i32>} : memref<2x128x128xf32, #tpu.memory_space<vmem>>, vector<1x1x16xf32>,
      %swap3A_428 = vector.shape_cast %swap3A_427 : vector<1x1x16xf32> to vector<16xf32>
      %swap3A_429 = vector.shape_cast %add3A_422 : vector<16xf32> to vector<1x1x16xf32>
      tpu.vector_store %arg9[%swap3A_424, %swap3A_425, %swap3A_426], %swap3A_429 {strides = array<i32>} : memref<2x128x128xf32, #tpu.memory_space<vmem>>, vector<1x1x16xf32>,
      %get3A_430 = arith.constant 1 : i32
      %get3A_431 = arith.index_cast %get3A_430 : i32 to index
      %get3A_432 = arith.index_cast %scan3A_364 : i32 to index
      %get3A_433 = arith.constant 48 : index
      %get3A_434 = tpu.vector_load %arg7[%get3A_431, %get3A_432, %get3A_433] {strides = array<i32>} : memref<2x128x128xf32, #tpu.memory_space<vmem>>, vector<1x1x16xf32>,
      %get3A_435 = vector.shape_cast %get3A_434 : vector<1x1x16xf32> to vector<16xf32>
      %mul3A_436 = arith.mulf %get3A_72, %get3A_435 : vector<16xf32>
      %get3A_437 = arith.constant 1 : i32
      %get3A_438 = arith.index_cast %get3A_437 : i32 to index
      %get3A_439 = arith.index_cast %scan3A_364 : i32 to index
      %get3A_440 = arith.constant 48 : index
      %get3A_441 = tpu.vector_load %arg8[%get3A_438, %get3A_439, %get3A_440] {strides = array<i32>} : memref<2x128x128xf32, #tpu.memory_space<vmem>>, vector<1x1x16xf32>,
      %get3A_442 = vector.shape_cast %get3A_441 : vector<1x1x16xf32> to vector<16xf32>
      %mul3A_443 = arith.mulf %sub3A_74, %get3A_442 : vector<16xf32>
      %add3A_444 = arith.addf %mul3A_436, %mul3A_443 : vector<16xf32>
      %swap3A_445 = arith.constant 1 : i32
      %swap3A_446 = arith.index_cast %swap3A_445 : i32 to index
      %swap3A_447 = arith.index_cast %scan3A_364 : i32 to index
      %swap3A_448 = arith.constant 48 : index
      %swap3A_449 = tpu.vector_load %arg9[%swap3A_446, %swap3A_447, %swap3A_448] {strides = array<i32>} : memref<2x128x128xf32, #tpu.memory_space<vmem>>, vector<1x1x16xf32>,
      %swap3A_450 = vector.shape_cast %swap3A_449 : vector<1x1x16xf32> to vector<16xf32>
      %swap3A_451 = vector.shape_cast %add3A_444 : vector<16xf32> to vector<1x1x16xf32>
      tpu.vector_store %arg9[%swap3A_446, %swap3A_447, %swap3A_448], %swap3A_451 {strides = array<i32>} : memref<2x128x128xf32, #tpu.memory_space<vmem>>, vector<1x1x16xf32>,
      %get3A_452 = arith.constant 1 : i32
      %get3A_453 = arith.index_cast %get3A_452 : i32 to index
      %get3A_454 = arith.index_cast %scan3A_364 : i32 to index
      %get3A_455 = arith.constant 64 : index
      %get3A_456 = tpu.vector_load %arg7[%get3A_453, %get3A_454, %get3A_455] {strides = array<i32>} : memref<2x128x128xf32, #tpu.memory_space<vmem>>, vector<1x1x16xf32>,
      %get3A_457 = vector.shape_cast %get3A_456 : vector<1x1x16xf32> to vector<16xf32>
      %mul3A_458 = arith.mulf %get3A_72, %get3A_457 : vector<16xf32>
      %get3A_459 = arith.constant 1 : i32
      %get3A_460 = arith.index_cast %get3A_459 : i32 to index
      %get3A_461 = arith.index_cast %scan3A_364 : i32 to index
      %get3A_462 = arith.constant 64 : index
      %get3A_463 = tpu.vector_load %arg8[%get3A_460, %get3A_461, %get3A_462] {strides = array<i32>} : memref<2x128x128xf32, #tpu.memory_space<vmem>>, vector<1x1x16xf32>,
      %get3A_464 = vector.shape_cast %get3A_463 : vector<1x1x16xf32> to vector<16xf32>
      %mul3A_465 = arith.mulf %sub3A_74, %get3A_464 : vector<16xf32>
      %add3A_466 = arith.addf %mul3A_458, %mul3A_465 : vector<16xf32>
      %swap3A_467 = arith.constant 1 : i32
      %swap3A_468 = arith.index_cast %swap3A_467 : i32 to index
      %swap3A_469 = arith.index_cast %scan3A_364 : i32 to index
      %swap3A_470 = arith.constant 64 : index
      %swap3A_471 = tpu.vector_load %arg9[%swap3A_468, %swap3A_469, %swap3A_470] {strides = array<i32>} : memref<2x128x128xf32, #tpu.memory_space<vmem>>, vector<1x1x16xf32>,
      %swap3A_472 = vector.shape_cast %swap3A_471 : vector<1x1x16xf32> to vector<16xf32>
      %swap3A_473 = vector.shape_cast %add3A_466 : vector<16xf32> to vector<1x1x16xf32>
      tpu.vector_store %arg9[%swap3A_468, %swap3A_469, %swap3A_470], %swap3A_473 {strides = array<i32>} : memref<2x128x128xf32, #tpu.memory_space<vmem>>, vector<1x1x16xf32>,
      %get3A_474 = arith.constant 1 : i32
      %get3A_475 = arith.index_cast %get3A_474 : i32 to index
      %get3A_476 = arith.index_cast %scan3A_364 : i32 to index
      %get3A_477 = arith.constant 80 : index
      %get3A_478 = tpu.vector_load %arg7[%get3A_475, %get3A_476, %get3A_477] {strides = array<i32>} : memref<2x128x128xf32, #tpu.memory_space<vmem>>, vector<1x1x16xf32>,
      %get3A_479 = vector.shape_cast %get3A_478 : vector<1x1x16xf32> to vector<16xf32>
      %mul3A_480 = arith.mulf %get3A_72, %get3A_479 : vector<16xf32>
      %get3A_481 = arith.constant 1 : i32
      %get3A_482 = arith.index_cast %get3A_481 : i32 to index
      %get3A_483 = arith.index_cast %scan3A_364 : i32 to index
      %get3A_484 = arith.constant 80 : index
      %get3A_485 = tpu.vector_load %arg8[%get3A_482, %get3A_483, %get3A_484] {strides = array<i32>} : memref<2x128x128xf32, #tpu.memory_space<vmem>>, vector<1x1x16xf32>,
      %get3A_486 = vector.shape_cast %get3A_485 : vector<1x1x16xf32> to vector<16xf32>
      %mul3A_487 = arith.mulf %sub3A_74, %get3A_486 : vector<16xf32>
      %add3A_488 = arith.addf %mul3A_480, %mul3A_487 : vector<16xf32>
      %swap3A_489 = arith.constant 1 : i32
      %swap3A_490 = arith.index_cast %swap3A_489 : i32 to index
      %swap3A_491 = arith.index_cast %scan3A_364 : i32 to index
      %swap3A_492 = arith.constant 80 : index
      %swap3A_493 = tpu.vector_load %arg9[%swap3A_490, %swap3A_491, %swap3A_492] {strides = array<i32>} : memref<2x128x128xf32, #tpu.memory_space<vmem>>, vector<1x1x16xf32>,
      %swap3A_494 = vector.shape_cast %swap3A_493 : vector<1x1x16xf32> to vector<16xf32>
      %swap3A_495 = vector.shape_cast %add3A_488 : vector<16xf32> to vector<1x1x16xf32>
      tpu.vector_store %arg9[%swap3A_490, %swap3A_491, %swap3A_492], %swap3A_495 {strides = array<i32>} : memref<2x128x128xf32, #tpu.memory_space<vmem>>, vector<1x1x16xf32>,
      %get3A_496 = arith.constant 1 : i32
      %get3A_497 = arith.index_cast %get3A_496 : i32 to index
      %get3A_498 = arith.index_cast %scan3A_364 : i32 to index
      %get3A_499 = arith.constant 96 : index
      %get3A_500 = tpu.vector_load %arg7[%get3A_497, %get3A_498, %get3A_499] {strides = array<i32>} : memref<2x128x128xf32, #tpu.memory_space<vmem>>, vector<1x1x16xf32>,
      %get3A_501 = vector.shape_cast %get3A_500 : vector<1x1x16xf32> to vector<16xf32>
      %mul3A_502 = arith.mulf %get3A_72, %get3A_501 : vector<16xf32>
      %get3A_503 = arith.constant 1 : i32
      %get3A_504 = arith.index_cast %get3A_503 : i32 to index
      %get3A_505 = arith.index_cast %scan3A_364 : i32 to index
      %get3A_506 = arith.constant 96 : index
      %get3A_507 = tpu.vector_load %arg8[%get3A_504, %get3A_505, %get3A_506] {strides = array<i32>} : memref<2x128x128xf32, #tpu.memory_space<vmem>>, vector<1x1x16xf32>,
      %get3A_508 = vector.shape_cast %get3A_507 : vector<1x1x16xf32> to vector<16xf32>
      %mul3A_509 = arith.mulf %sub3A_74, %get3A_508 : vector<16xf32>
      %add3A_510 = arith.addf %mul3A_502, %mul3A_509 : vector<16xf32>
      %swap3A_511 = arith.constant 1 : i32
      %swap3A_512 = arith.index_cast %swap3A_511 : i32 to index
      %swap3A_513 = arith.index_cast %scan3A_364 : i32 to index
      %swap3A_514 = arith.constant 96 : index
      %swap3A_515 = tpu.vector_load %arg9[%swap3A_512, %swap3A_513, %swap3A_514] {strides = array<i32>} : memref<2x128x128xf32, #tpu.memory_space<vmem>>, vector<1x1x16xf32>,
      %swap3A_516 = vector.shape_cast %swap3A_515 : vector<1x1x16xf32> to vector<16xf32>
      %swap3A_517 = vector.shape_cast %add3A_510 : vector<16xf32> to vector<1x1x16xf32>
      tpu.vector_store %arg9[%swap3A_512, %swap3A_513, %swap3A_514], %swap3A_517 {strides = array<i32>} : memref<2x128x128xf32, #tpu.memory_space<vmem>>, vector<1x1x16xf32>,
      %get3A_518 = arith.constant 1 : i32
      %get3A_519 = arith.index_cast %get3A_518 : i32 to index
      %get3A_520 = arith.index_cast %scan3A_364 : i32 to index
      %get3A_521 = arith.constant 112 : index
      %get3A_522 = tpu.vector_load %arg7[%get3A_519, %get3A_520, %get3A_521] {strides = array<i32>} : memref<2x128x128xf32, #tpu.memory_space<vmem>>, vector<1x1x16xf32>,
      %get3A_523 = vector.shape_cast %get3A_522 : vector<1x1x16xf32> to vector<16xf32>
      %mul3A_524 = arith.mulf %get3A_72, %get3A_523 : vector<16xf32>
      %get3A_525 = arith.constant 1 : i32
      %get3A_526 = arith.index_cast %get3A_525 : i32 to index
      %get3A_527 = arith.index_cast %scan3A_364 : i32 to index
      %get3A_528 = arith.constant 112 : index
      %get3A_529 = tpu.vector_load %arg8[%get3A_526, %get3A_527, %get3A_528] {strides = array<i32>} : memref<2x128x128xf32, #tpu.memory_space<vmem>>, vector<1x1x16xf32>,
      %get3A_530 = vector.shape_cast %get3A_529 : vector<1x1x16xf32> to vector<16xf32>
      %mul3A_531 = arith.mulf %sub3A_74, %get3A_530 : vector<16xf32>
      %add3A_532 = arith.addf %mul3A_524, %mul3A_531 : vector<16xf32>
      %swap3A_533 = arith.constant 1 : i32
      %swap3A_534 = arith.index_cast %swap3A_533 : i32 to index
      %swap3A_535 = arith.index_cast %scan3A_364 : i32 to index
      %swap3A_536 = arith.constant 112 : index
      %swap3A_537 = tpu.vector_load %arg9[%swap3A_534, %swap3A_535, %swap3A_536] {strides = array<i32>} : memref<2x128x128xf32, #tpu.memory_space<vmem>>, vector<1x1x16xf32>,
      %swap3A_538 = vector.shape_cast %swap3A_537 : vector<1x1x16xf32> to vector<16xf32>
      %swap3A_539 = vector.shape_cast %add3A_532 : vector<16xf32> to vector<1x1x16xf32>
      tpu.vector_store %arg9[%swap3A_534, %swap3A_535, %swap3A_536], %swap3A_539 {strides = array<i32>} : memref<2x128x128xf32, #tpu.memory_space<vmem>>, vector<1x1x16xf32>,
    }
    %scan3A_177 = arith.constant 128 : i32
    %add3A_178 = arith.constant 128 : i32
    %add3A_179 = arith.addi %mul3A_2, %add3A_178 : i32
    %dma_start3A_180 = arith.constant 1 : i32
    %dma_start3A_181 = arith.constant 0 : i32
    %dma_start3A_182 = arith.constant 0 : i32
    %dma_start3A_183 = tpu.memref_slice %arg9[%dma_start3A_180, %dma_start3A_181, %dma_start3A_182] : memref<2x128x128xf32, #tpu.memory_space<vmem>> -> memref<1x128x128xf32, #tpu.memory_space<vmem>>
    %dma_start3A_184 = tpu.memref_squeeze %dma_start3A_183 : memref<1x128x128xf32, #tpu.memory_space<vmem>> -> memref<128x128xf32, #tpu.memory_space<vmem>>
    %dma_start3A_185 = arith.constant 0 : i32
    %dma_start3A_186 = tpu.memref_slice %arg5[%add3A_179, %dma_start3A_185] : memref<16384x128xf32, #tpu.memory_space<hbm>> -> memref<128x128xf32, #tpu.memory_space<hbm>>
    %dma_start3A_187 = arith.constant 0 : i32
    %dma_start3A_188 = tpu.memref_slice %arg5[%add3A_179, %dma_start3A_187] : memref<16384x128xf32, #tpu.memory_space<hbm>> -> memref<128x128xf32, #tpu.memory_space<hbm>>
    %dma_start3A_189 = arith.constant 0 : i32
    %dma_start3A_190 = arith.constant 0 : i32
    %dma_start3A_191 = tpu.memref_slice %arg9[%dma_start3A_180, %dma_start3A_189, %dma_start3A_190] : memref<2x128x128xf32, #tpu.memory_space<vmem>> -> memref<1x128x128xf32, #tpu.memory_space<vmem>>
    %dma_start3A_192 = tpu.memref_squeeze %dma_start3A_191 : memref<1x128x128xf32, #tpu.memory_space<vmem>> -> memref<128x128xf32, #tpu.memory_space<vmem>>
    tpu.enqueue_dma source(%dma_start3A_192 : memref<128x128xf32, #tpu.memory_space<vmem>>) target(%dma_start3A_188 : memref<128x128xf32, #tpu.memory_space<hbm>>) target_semaphore(%arg18 : memref<!tpu.dma_semaphore, #tpu.memory_space<semaphore_mem>>)
    %dma_start3A_193 = arith.constant 3 : i32
    %dma_start3A_194 = arith.constant 1 : i32
    %dma_start3A_195 = arith.constant 0 : i32
    %dma_start3A_196 = arith.constant 0 : i32
    %dma_start3A_197 = tpu.memref_slice %arg8[%dma_start3A_194, %dma_start3A_195, %dma_start3A_196] : memref<2x128x128xf32, #tpu.memory_space<vmem>> -> memref<1x128x128xf32, #tpu.memory_space<vmem>>
    %dma_start3A_198 = tpu.memref_squeeze %dma_start3A_197 : memref<1x128x128xf32, #tpu.memory_space<vmem>> -> memref<128x128xf32, #tpu.memory_space<vmem>>
    %dma_start3A_199 = arith.constant 0 : i32
    %dma_start3A_200 = tpu.memref_slice %arg6[%dma_start3A_193, %dma_start3A_199] : memref<4x128xi32, #tpu.memory_space<vmem>> -> memref<1x128xi32, #tpu.memory_space<vmem>>
    %dma_start3A_201 = tpu.memref_squeeze %dma_start3A_200 : memref<1x128xi32, #tpu.memory_space<vmem>> -> memref<128xi32, #tpu.memory_space<vmem>>
    %dma_start3A_202 = arith.constant 0 : i32
    %dma_start3A_203 = arith.constant 0 : i32
    %dma_start3A_204 = tpu.memref_slice %arg2[%dma_start3A_202, %dma_start3A_203] : memref<16384x128xf32, #tpu.memory_space<hbm>> -> memref<16384x128xf32, #tpu.memory_space<hbm>>
    tpu.enqueue_indirect_dma source(%dma_start3A_204 : memref<16384x128xf32, #tpu.memory_space<hbm>>) target(%dma_start3A_198 : memref<128x128xf32, #tpu.memory_space<vmem>>) offsets(%dma_start3A_201 : memref<128xi32, #tpu.memory_space<vmem>>) semaphore(%arg14 : memref<!tpu.dma_semaphore, #tpu.memory_space<semaphore_mem>>)
    %add3A_205 = arith.constant 384 : i32
    %add3A_206 = arith.addi %mul3A_2, %add3A_205 : i32
    %dma_start3A_207 = arith.constant 1 : i32
    %dma_start3A_208 = arith.constant 0 : i32
    %dma_start3A_209 = arith.constant 0 : i32
    %dma_start3A_210 = tpu.memref_slice %arg7[%dma_start3A_207, %dma_start3A_208, %dma_start3A_209] : memref<2x128x128xf32, #tpu.memory_space<vmem>> -> memref<1x128x128xf32, #tpu.memory_space<vmem>>
    %dma_start3A_211 = tpu.memref_squeeze %dma_start3A_210 : memref<1x128x128xf32, #tpu.memory_space<vmem>> -> memref<128x128xf32, #tpu.memory_space<vmem>>
    %dma_start3A_212 = arith.constant 0 : i32
    %dma_start3A_213 = tpu.memref_slice %arg2[%add3A_206, %dma_start3A_212] : memref<16384x128xf32, #tpu.memory_space<hbm>> -> memref<128x128xf32, #tpu.memory_space<hbm>>
    %dma_start3A_214 = arith.constant 0 : i32
    %dma_start3A_215 = arith.constant 0 : i32
    %dma_start3A_216 = tpu.memref_slice %arg7[%dma_start3A_207, %dma_start3A_214, %dma_start3A_215] : memref<2x128x128xf32, #tpu.memory_space<vmem>> -> memref<1x128x128xf32, #tpu.memory_space<vmem>>
    %dma_start3A_217 = tpu.memref_squeeze %dma_start3A_216 : memref<1x128x128xf32, #tpu.memory_space<vmem>> -> memref<128x128xf32, #tpu.memory_space<vmem>>
    %dma_start3A_218 = arith.constant 0 : i32
    %dma_start3A_219 = tpu.memref_slice %arg2[%add3A_206, %dma_start3A_218] : memref<16384x128xf32, #tpu.memory_space<hbm>> -> memref<128x128xf32, #tpu.memory_space<hbm>>
    tpu.enqueue_dma source(%dma_start3A_219 : memref<128x128xf32, #tpu.memory_space<hbm>>) target(%dma_start3A_217 : memref<128x128xf32, #tpu.memory_space<vmem>>) target_semaphore(%arg16 : memref<!tpu.dma_semaphore, #tpu.memory_space<semaphore_mem>>)
    %dma_wait3A_220 = arith.constant 2 : i32
    %dma_wait3A_221 = arith.constant 0 : i32
    %dma_wait3A_222 = arith.constant 0 : i32
    %dma_wait3A_223 = arith.constant 0 : i32
    %dma_wait3A_224 = tpu.memref_slice %arg8[%dma_wait3A_221, %dma_wait3A_222, %dma_wait3A_223] : memref<2x128x128xf32, #tpu.memory_space<vmem>> -> memref<1x128x128xf32, #tpu.memory_space<vmem>>
    %dma_wait3A_225 = tpu.memref_squeeze %dma_wait3A_224 : memref<1x128x128xf32, #tpu.memory_space<vmem>> -> memref<128x128xf32, #tpu.memory_space<vmem>>
    %dma_wait3A_226 = arith.constant 0 : i32
    %dma_wait3A_227 = tpu.memref_slice %arg6[%dma_wait3A_220, %dma_wait3A_226] : memref<4x128xi32, #tpu.memory_space<vmem>> -> memref<1x128xi32, #tpu.memory_space<vmem>>
    %dma_wait3A_228 = tpu.memref_squeeze %dma_wait3A_227 : memref<1x128xi32, #tpu.memory_space<vmem>> -> memref<128xi32, #tpu.memory_space<vmem>>
    %dma_wait3A_229 = arith.constant 0 : i32
    %dma_wait3A_230 = arith.constant 0 : i32
    %dma_wait3A_231 = tpu.memref_slice %arg2[%dma_wait3A_229, %dma_wait3A_230] : memref<16384x128xf32, #tpu.memory_space<hbm>> -> memref<16384x128xf32, #tpu.memory_space<hbm>>
    tpu.wait_indirect_dma semaphore(%arg13 : memref<!tpu.dma_semaphore, #tpu.memory_space<semaphore_mem>>) src(%dma_wait3A_231 : memref<16384x128xf32, #tpu.memory_space<hbm>>) dst(%dma_wait3A_225 : memref<128x128xf32, #tpu.memory_space<vmem>>)
    %dma_wait3A_232 = arith.constant 0 : i32
    %dma_wait3A_233 = arith.constant 0 : i32
    %dma_wait3A_234 = arith.constant 0 : i32
    %dma_wait3A_235 = tpu.memref_slice %arg7[%dma_wait3A_232, %dma_wait3A_233, %dma_wait3A_234] : memref<2x128x128xf32, #tpu.memory_space<vmem>> -> memref<1x128x128xf32, #tpu.memory_space<vmem>>
    %dma_wait3A_236 = tpu.memref_squeeze %dma_wait3A_235 : memref<1x128x128xf32, #tpu.memory_space<vmem>> -> memref<128x128xf32, #tpu.memory_space<vmem>>
    %dma_wait3A_237 = arith.constant 0 : i32
    %dma_wait3A_238 = tpu.memref_slice %arg2[%add3A_133, %dma_wait3A_237] : memref<16384x128xf32, #tpu.memory_space<hbm>> -> memref<128x128xf32, #tpu.memory_space<hbm>>
    %dma_wait3A_239 = arith.constant 0 : i32
    %dma_wait3A_240 = arith.constant 0 : i32
    %dma_wait3A_241 = tpu.memref_slice %arg7[%dma_wait3A_232, %dma_wait3A_239, %dma_wait3A_240] : memref<2x128x128xf32, #tpu.memory_space<vmem>> -> memref<1x128x128xf32, #tpu.memory_space<vmem>>
    %dma_wait3A_242 = tpu.memref_squeeze %dma_wait3A_241 : memref<1x128x128xf32, #tpu.memory_space<vmem>> -> memref<128x128xf32, #tpu.memory_space<vmem>>
    %dma_wait3A_243 = arith.constant 0 : i32
    %dma_wait3A_244 = tpu.memref_slice %arg2[%add3A_133, %dma_wait3A_243] : memref<16384x128xf32, #tpu.memory_space<hbm>> -> memref<128x128xf32, #tpu.memory_space<hbm>>
    tpu.wait_dma2 semaphore(%arg15 : memref<!tpu.dma_semaphore, #tpu.memory_space<semaphore_mem>>) src(%dma_wait3A_244 : memref<128x128xf32, #tpu.memory_space<hbm>>) dst(%dma_wait3A_242 : memref<128x128xf32, #tpu.memory_space<vmem>>)
    %dma_wait3A_245 = arith.constant 0 : i32
    %dma_wait3A_246 = arith.constant 0 : i32
    %dma_wait3A_247 = arith.constant 0 : i32
    %dma_wait3A_248 = tpu.memref_slice %arg9[%dma_wait3A_245, %dma_wait3A_246, %dma_wait3A_247] : memref<2x128x128xf32, #tpu.memory_space<vmem>> -> memref<1x128x128xf32, #tpu.memory_space<vmem>>
    %dma_wait3A_249 = tpu.memref_squeeze %dma_wait3A_248 : memref<1x128x128xf32, #tpu.memory_space<vmem>> -> memref<128x128xf32, #tpu.memory_space<vmem>>
    %dma_wait3A_250 = arith.constant 0 : i32
    %dma_wait3A_251 = tpu.memref_slice %arg5[%add3A_106, %dma_wait3A_250] : memref<16384x128xf32, #tpu.memory_space<hbm>> -> memref<128x128xf32, #tpu.memory_space<hbm>>
    %dma_wait3A_252 = arith.constant 0 : i32
    %dma_wait3A_253 = tpu.memref_slice %arg5[%add3A_106, %dma_wait3A_252] : memref<16384x128xf32, #tpu.memory_space<hbm>> -> memref<128x128xf32, #tpu.memory_space<hbm>>
    %dma_wait3A_254 = arith.constant 0 : i32
    %dma_wait3A_255 = arith.constant 0 : i32
    %dma_wait3A_256 = tpu.memref_slice %arg9[%dma_wait3A_245, %dma_wait3A_254, %dma_wait3A_255] : memref<2x128x128xf32, #tpu.memory_space<vmem>> -> memref<1x128x128xf32, #tpu.memory_space<vmem>>
    %dma_wait3A_257 = tpu.memref_squeeze %dma_wait3A_256 : memref<1x128x128xf32, #tpu.memory_space<vmem>> -> memref<128x128xf32, #tpu.memory_space<vmem>>
    tpu.wait_dma2 semaphore(%arg17 : memref<!tpu.dma_semaphore, #tpu.memory_space<semaphore_mem>>) src(%dma_wait3A_257 : memref<128x128xf32, #tpu.memory_space<vmem>>) dst(%dma_wait3A_253 : memref<128x128xf32, #tpu.memory_space<hbm>>)
    %scan3A_258 = arith.constant 0 : i32
    %scan3A_259 = arith.constant 0 : i32
    %scan3A_260 = arith.constant 128 : i32
    %scan3A_261 = arith.addi %scan3A_259, %scan3A_260 : i32
    %scan3A_262 = arith.constant 1 : i32
    scf.for %scan3A_364 = %scan3A_259 to %scan3A_261 step %scan3A_262  : i32 {
      %get3A_365 = arith.constant 0 : i32
      %get3A_366 = arith.index_cast %get3A_365 : i32 to index
      %get3A_367 = arith.index_cast %scan3A_364 : i32 to index
      %get3A_368 = arith.constant 0 : index
      %get3A_369 = tpu.vector_load %arg7[%get3A_366, %get3A_367, %get3A_368] {strides = array<i32>} : memref<2x128x128xf32, #tpu.memory_space<vmem>>, vector<1x1x16xf32>,
      %get3A_370 = vector.shape_cast %get3A_369 : vector<1x1x16xf32> to vector<16xf32>
      %mul3A_371 = arith.mulf %get3A_72, %get3A_370 : vector<16xf32>
      %get3A_372 = arith.constant 0 : i32
      %get3A_373 = arith.index_cast %get3A_372 : i32 to index
      %get3A_374 = arith.index_cast %scan3A_364 : i32 to index
      %get3A_375 = arith.constant 0 : index
      %get3A_376 = tpu.vector_load %arg8[%get3A_373, %get3A_374, %get3A_375] {strides = array<i32>} : memref<2x128x128xf32, #tpu.memory_space<vmem>>, vector<1x1x16xf32>,
      %get3A_377 = vector.shape_cast %get3A_376 : vector<1x1x16xf32> to vector<16xf32>
      %mul3A_378 = arith.mulf %sub3A_74, %get3A_377 : vector<16xf32>
      %add3A_379 = arith.addf %mul3A_371, %mul3A_378 : vector<16xf32>
      %swap3A = arith.constant 0 : i32
      %swap3A_380 = arith.index_cast %swap3A : i32 to index
      %swap3A_381 = arith.index_cast %scan3A_364 : i32 to index
      %swap3A_382 = arith.constant 0 : index
      %swap3A_383 = tpu.vector_load %arg9[%swap3A_380, %swap3A_381, %swap3A_382] {strides = array<i32>} : memref<2x128x128xf32, #tpu.memory_space<vmem>>, vector<1x1x16xf32>,
      %swap3A_384 = vector.shape_cast %swap3A_383 : vector<1x1x16xf32> to vector<16xf32>
      %swap3A_385 = vector.shape_cast %add3A_379 : vector<16xf32> to vector<1x1x16xf32>
      tpu.vector_store %arg9[%swap3A_380, %swap3A_381, %swap3A_382], %swap3A_385 {strides = array<i32>} : memref<2x128x128xf32, #tpu.memory_space<vmem>>, vector<1x1x16xf32>,
      %get3A_386 = arith.constant 0 : i32
      %get3A_387 = arith.index_cast %get3A_386 : i32 to index
      %get3A_388 = arith.index_cast %scan3A_364 : i32 to index
      %get3A_389 = arith.constant 16 : index
      %get3A_390 = tpu.vector_load %arg7[%get3A_387, %get3A_388, %get3A_389] {strides = array<i32>} : memref<2x128x128xf32, #tpu.memory_space<vmem>>, vector<1x1x16xf32>,
      %get3A_391 = vector.shape_cast %get3A_390 : vector<1x1x16xf32> to vector<16xf32>
      %mul3A_392 = arith.mulf %get3A_72, %get3A_391 : vector<16xf32>
      %get3A_393 = arith.constant 0 : i32
      %get3A_394 = arith.index_cast %get3A_393 : i32 to index
      %get3A_395 = arith.index_cast %scan3A_364 : i32 to index
      %get3A_396 = arith.constant 16 : index
      %get3A_397 = tpu.vector_load %arg8[%get3A_394, %get3A_395, %get3A_396] {strides = array<i32>} : memref<2x128x128xf32, #tpu.memory_space<vmem>>, vector<1x1x16xf32>,
      %get3A_398 = vector.shape_cast %get3A_397 : vector<1x1x16xf32> to vector<16xf32>
      %mul3A_399 = arith.mulf %sub3A_74, %get3A_398 : vector<16xf32>
      %add3A_400 = arith.addf %mul3A_392, %mul3A_399 : vector<16xf32>
      %swap3A_401 = arith.constant 0 : i32
      %swap3A_402 = arith.index_cast %swap3A_401 : i32 to index
      %swap3A_403 = arith.index_cast %scan3A_364 : i32 to index
      %swap3A_404 = arith.constant 16 : index
      %swap3A_405 = tpu.vector_load %arg9[%swap3A_402, %swap3A_403, %swap3A_404] {strides = array<i32>} : memref<2x128x128xf32, #tpu.memory_space<vmem>>, vector<1x1x16xf32>,
      %swap3A_406 = vector.shape_cast %swap3A_405 : vector<1x1x16xf32> to vector<16xf32>
      %swap3A_407 = vector.shape_cast %add3A_400 : vector<16xf32> to vector<1x1x16xf32>
      tpu.vector_store %arg9[%swap3A_402, %swap3A_403, %swap3A_404], %swap3A_407 {strides = array<i32>} : memref<2x128x128xf32, #tpu.memory_space<vmem>>, vector<1x1x16xf32>,
      %get3A_408 = arith.constant 0 : i32
      %get3A_409 = arith.index_cast %get3A_408 : i32 to index
      %get3A_410 = arith.index_cast %scan3A_364 : i32 to index
      %get3A_411 = arith.constant 32 : index
      %get3A_412 = tpu.vector_load %arg7[%get3A_409, %get3A_410, %get3A_411] {strides = array<i32>} : memref<2x128x128xf32, #tpu.memory_space<vmem>>, vector<1x1x16xf32>,
      %get3A_413 = vector.shape_cast %get3A_412 : vector<1x1x16xf32> to vector<16xf32>
      %mul3A_414 = arith.mulf %get3A_72, %get3A_413 : vector<16xf32>
      %get3A_415 = arith.constant 0 : i32
      %get3A_416 = arith.index_cast %get3A_415 : i32 to index
      %get3A_417 = arith.index_cast %scan3A_364 : i32 to index
      %get3A_418 = arith.constant 32 : index
      %get3A_419 = tpu.vector_load %arg8[%get3A_416, %get3A_417, %get3A_418] {strides = array<i32>} : memref<2x128x128xf32, #tpu.memory_space<vmem>>, vector<1x1x16xf32>,
      %get3A_420 = vector.shape_cast %get3A_419 : vector<1x1x16xf32> to vector<16xf32>
      %mul3A_421 = arith.mulf %sub3A_74, %get3A_420 : vector<16xf32>
      %add3A_422 = arith.addf %mul3A_414, %mul3A_421 : vector<16xf32>
      %swap3A_423 = arith.constant 0 : i32
      %swap3A_424 = arith.index_cast %swap3A_423 : i32 to index
      %swap3A_425 = arith.index_cast %scan3A_364 : i32 to index
      %swap3A_426 = arith.constant 32 : index
      %swap3A_427 = tpu.vector_load %arg9[%swap3A_424, %swap3A_425, %swap3A_426] {strides = array<i32>} : memref<2x128x128xf32, #tpu.memory_space<vmem>>, vector<1x1x16xf32>,
      %swap3A_428 = vector.shape_cast %swap3A_427 : vector<1x1x16xf32> to vector<16xf32>
      %swap3A_429 = vector.shape_cast %add3A_422 : vector<16xf32> to vector<1x1x16xf32>
      tpu.vector_store %arg9[%swap3A_424, %swap3A_425, %swap3A_426], %swap3A_429 {strides = array<i32>} : memref<2x128x128xf32, #tpu.memory_space<vmem>>, vector<1x1x16xf32>,
      %get3A_430 = arith.constant 0 : i32
      %get3A_431 = arith.index_cast %get3A_430 : i32 to index
      %get3A_432 = arith.index_cast %scan3A_364 : i32 to index
      %get3A_433 = arith.constant 48 : index
      %get3A_434 = tpu.vector_load %arg7[%get3A_431, %get3A_432, %get3A_433] {strides = array<i32>} : memref<2x128x128xf32, #tpu.memory_space<vmem>>, vector<1x1x16xf32>,
      %get3A_435 = vector.shape_cast %get3A_434 : vector<1x1x16xf32> to vector<16xf32>
      %mul3A_436 = arith.mulf %get3A_72, %get3A_435 : vector<16xf32>
      %get3A_437 = arith.constant 0 : i32
      %get3A_438 = arith.index_cast %get3A_437 : i32 to index
      %get3A_439 = arith.index_cast %scan3A_364 : i32 to index
      %get3A_440 = arith.constant 48 : index
      %get3A_441 = tpu.vector_load %arg8[%get3A_438, %get3A_439, %get3A_440] {strides = array<i32>} : memref<2x128x128xf32, #tpu.memory_space<vmem>>, vector<1x1x16xf32>,
      %get3A_442 = vector.shape_cast %get3A_441 : vector<1x1x16xf32> to vector<16xf32>
      %mul3A_443 = arith.mulf %sub3A_74, %get3A_442 : vector<16xf32>
      %add3A_444 = arith.addf %mul3A_436, %mul3A_443 : vector<16xf32>
      %swap3A_445 = arith.constant 0 : i32
      %swap3A_446 = arith.index_cast %swap3A_445 : i32 to index
      %swap3A_447 = arith.index_cast %scan3A_364 : i32 to index
      %swap3A_448 = arith.constant 48 : index
      %swap3A_449 = tpu.vector_load %arg9[%swap3A_446, %swap3A_447, %swap3A_448] {strides = array<i32>} : memref<2x128x128xf32, #tpu.memory_space<vmem>>, vector<1x1x16xf32>,
      %swap3A_450 = vector.shape_cast %swap3A_449 : vector<1x1x16xf32> to vector<16xf32>
      %swap3A_451 = vector.shape_cast %add3A_444 : vector<16xf32> to vector<1x1x16xf32>
      tpu.vector_store %arg9[%swap3A_446, %swap3A_447, %swap3A_448], %swap3A_451 {strides = array<i32>} : memref<2x128x128xf32, #tpu.memory_space<vmem>>, vector<1x1x16xf32>,
      %get3A_452 = arith.constant 0 : i32
      %get3A_453 = arith.index_cast %get3A_452 : i32 to index
      %get3A_454 = arith.index_cast %scan3A_364 : i32 to index
      %get3A_455 = arith.constant 64 : index
      %get3A_456 = tpu.vector_load %arg7[%get3A_453, %get3A_454, %get3A_455] {strides = array<i32>} : memref<2x128x128xf32, #tpu.memory_space<vmem>>, vector<1x1x16xf32>,
      %get3A_457 = vector.shape_cast %get3A_456 : vector<1x1x16xf32> to vector<16xf32>
      %mul3A_458 = arith.mulf %get3A_72, %get3A_457 : vector<16xf32>
      %get3A_459 = arith.constant 0 : i32
      %get3A_460 = arith.index_cast %get3A_459 : i32 to index
      %get3A_461 = arith.index_cast %scan3A_364 : i32 to index
      %get3A_462 = arith.constant 64 : index
      %get3A_463 = tpu.vector_load %arg8[%get3A_460, %get3A_461, %get3A_462] {strides = array<i32>} : memref<2x128x128xf32, #tpu.memory_space<vmem>>, vector<1x1x16xf32>,
      %get3A_464 = vector.shape_cast %get3A_463 : vector<1x1x16xf32> to vector<16xf32>
      %mul3A_465 = arith.mulf %sub3A_74, %get3A_464 : vector<16xf32>
      %add3A_466 = arith.addf %mul3A_458, %mul3A_465 : vector<16xf32>
      %swap3A_467 = arith.constant 0 : i32
      %swap3A_468 = arith.index_cast %swap3A_467 : i32 to index
      %swap3A_469 = arith.index_cast %scan3A_364 : i32 to index
      %swap3A_470 = arith.constant 64 : index
      %swap3A_471 = tpu.vector_load %arg9[%swap3A_468, %swap3A_469, %swap3A_470] {strides = array<i32>} : memref<2x128x128xf32, #tpu.memory_space<vmem>>, vector<1x1x16xf32>,
      %swap3A_472 = vector.shape_cast %swap3A_471 : vector<1x1x16xf32> to vector<16xf32>
      %swap3A_473 = vector.shape_cast %add3A_466 : vector<16xf32> to vector<1x1x16xf32>
      tpu.vector_store %arg9[%swap3A_468, %swap3A_469, %swap3A_470], %swap3A_473 {strides = array<i32>} : memref<2x128x128xf32, #tpu.memory_space<vmem>>, vector<1x1x16xf32>,
      %get3A_474 = arith.constant 0 : i32
      %get3A_475 = arith.index_cast %get3A_474 : i32 to index
      %get3A_476 = arith.index_cast %scan3A_364 : i32 to index
      %get3A_477 = arith.constant 80 : index
      %get3A_478 = tpu.vector_load %arg7[%get3A_475, %get3A_476, %get3A_477] {strides = array<i32>} : memref<2x128x128xf32, #tpu.memory_space<vmem>>, vector<1x1x16xf32>,
      %get3A_479 = vector.shape_cast %get3A_478 : vector<1x1x16xf32> to vector<16xf32>
      %mul3A_480 = arith.mulf %get3A_72, %get3A_479 : vector<16xf32>
      %get3A_481 = arith.constant 0 : i32
      %get3A_482 = arith.index_cast %get3A_481 : i32 to index
      %get3A_483 = arith.index_cast %scan3A_364 : i32 to index
      %get3A_484 = arith.constant 80 : index
      %get3A_485 = tpu.vector_load %arg8[%get3A_482, %get3A_483, %get3A_484] {strides = array<i32>} : memref<2x128x128xf32, #tpu.memory_space<vmem>>, vector<1x1x16xf32>,
      %get3A_486 = vector.shape_cast %get3A_485 : vector<1x1x16xf32> to vector<16xf32>
      %mul3A_487 = arith.mulf %sub3A_74, %get3A_486 : vector<16xf32>
      %add3A_488 = arith.addf %mul3A_480, %mul3A_487 : vector<16xf32>
      %swap3A_489 = arith.constant 0 : i32
      %swap3A_490 = arith.index_cast %swap3A_489 : i32 to index
      %swap3A_491 = arith.index_cast %scan3A_364 : i32 to index
      %swap3A_492 = arith.constant 80 : index
      %swap3A_493 = tpu.vector_load %arg9[%swap3A_490, %swap3A_491, %swap3A_492] {strides = array<i32>} : memref<2x128x128xf32, #tpu.memory_space<vmem>>, vector<1x1x16xf32>,
      %swap3A_494 = vector.shape_cast %swap3A_493 : vector<1x1x16xf32> to vector<16xf32>
      %swap3A_495 = vector.shape_cast %add3A_488 : vector<16xf32> to vector<1x1x16xf32>
      tpu.vector_store %arg9[%swap3A_490, %swap3A_491, %swap3A_492], %swap3A_495 {strides = array<i32>} : memref<2x128x128xf32, #tpu.memory_space<vmem>>, vector<1x1x16xf32>,
      %get3A_496 = arith.constant 0 : i32
      %get3A_497 = arith.index_cast %get3A_496 : i32 to index
      %get3A_498 = arith.index_cast %scan3A_364 : i32 to index
      %get3A_499 = arith.constant 96 : index
      %get3A_500 = tpu.vector_load %arg7[%get3A_497, %get3A_498, %get3A_499] {strides = array<i32>} : memref<2x128x128xf32, #tpu.memory_space<vmem>>, vector<1x1x16xf32>,
      %get3A_501 = vector.shape_cast %get3A_500 : vector<1x1x16xf32> to vector<16xf32>
      %mul3A_502 = arith.mulf %get3A_72, %get3A_501 : vector<16xf32>
      %get3A_503 = arith.constant 0 : i32
      %get3A_504 = arith.index_cast %get3A_503 : i32 to index
      %get3A_505 = arith.index_cast %scan3A_364 : i32 to index
      %get3A_506 = arith.constant 96 : index
      %get3A_507 = tpu.vector_load %arg8[%get3A_504, %get3A_505, %get3A_506] {strides = array<i32>} : memref<2x128x128xf32, #tpu.memory_space<vmem>>, vector<1x1x16xf32>,
      %get3A_508 = vector.shape_cast %get3A_507 : vector<1x1x16xf32> to vector<16xf32>
      %mul3A_509 = arith.mulf %sub3A_74, %get3A_508 : vector<16xf32>
      %add3A_510 = arith.addf %mul3A_502, %mul3A_509 : vector<16xf32>
      %swap3A_511 = arith.constant 0 : i32
      %swap3A_512 = arith.index_cast %swap3A_511 : i32 to index
      %swap3A_513 = arith.index_cast %scan3A_364 : i32 to index
      %swap3A_514 = arith.constant 96 : index
      %swap3A_515 = tpu.vector_load %arg9[%swap3A_512, %swap3A_513, %swap3A_514] {strides = array<i32>} : memref<2x128x128xf32, #tpu.memory_space<vmem>>, vector<1x1x16xf32>,
      %swap3A_516 = vector.shape_cast %swap3A_515 : vector<1x1x16xf32> to vector<16xf32>
      %swap3A_517 = vector.shape_cast %add3A_510 : vector<16xf32> to vector<1x1x16xf32>
      tpu.vector_store %arg9[%swap3A_512, %swap3A_513, %swap3A_514], %swap3A_517 {strides = array<i32>} : memref<2x128x128xf32, #tpu.memory_space<vmem>>, vector<1x1x16xf32>,
      %get3A_518 = arith.constant 0 : i32
      %get3A_519 = arith.index_cast %get3A_518 : i32 to index
      %get3A_520 = arith.index_cast %scan3A_364 : i32 to index
      %get3A_521 = arith.constant 112 : index
      %get3A_522 = tpu.vector_load %arg7[%get3A_519, %get3A_520, %get3A_521] {strides = array<i32>} : memref<2x128x128xf32, #tpu.memory_space<vmem>>, vector<1x1x16xf32>,
      %get3A_523 = vector.shape_cast %get3A_522 : vector<1x1x16xf32> to vector<16xf32>
      %mul3A_524 = arith.mulf %get3A_72, %get3A_523 : vector<16xf32>
      %get3A_525 = arith.constant 0 : i32
      %get3A_526 = arith.index_cast %get3A_525 : i32 to index
      %get3A_527 = arith.index_cast %scan3A_364 : i32 to index
      %get3A_528 = arith.constant 112 : index
      %get3A_529 = tpu.vector_load %arg8[%get3A_526, %get3A_527, %get3A_528] {strides = array<i32>} : memref<2x128x128xf32, #tpu.memory_space<vmem>>, vector<1x1x16xf32>,
      %get3A_530 = vector.shape_cast %get3A_529 : vector<1x1x16xf32> to vector<16xf32>
      %mul3A_531 = arith.mulf %sub3A_74, %get3A_530 : vector<16xf32>
      %add3A_532 = arith.addf %mul3A_524, %mul3A_531 : vector<16xf32>
      %swap3A_533 = arith.constant 0 : i32
      %swap3A_534 = arith.index_cast %swap3A_533 : i32 to index
      %swap3A_535 = arith.index_cast %scan3A_364 : i32 to index
      %swap3A_536 = arith.constant 112 : index
      %swap3A_537 = tpu.vector_load %arg9[%swap3A_534, %swap3A_535, %swap3A_536] {strides = array<i32>} : memref<2x128x128xf32, #tpu.memory_space<vmem>>, vector<1x1x16xf32>,
      %swap3A_538 = vector.shape_cast %swap3A_537 : vector<1x1x16xf32> to vector<16xf32>
      %swap3A_539 = vector.shape_cast %add3A_532 : vector<16xf32> to vector<1x1x16xf32>
      tpu.vector_store %arg9[%swap3A_534, %swap3A_535, %swap3A_536], %swap3A_539 {strides = array<i32>} : memref<2x128x128xf32, #tpu.memory_space<vmem>>, vector<1x1x16xf32>,
    }
    %scan3A_263 = arith.constant 128 : i32
    %add3A_264 = arith.constant 256 : i32
    %add3A_265 = arith.addi %mul3A_2, %add3A_264 : i32
    %dma_start3A_266 = arith.constant 0 : i32
    %dma_start3A_267 = arith.constant 0 : i32
    %dma_start3A_268 = arith.constant 0 : i32
    %dma_start3A_269 = tpu.memref_slice %arg9[%dma_start3A_266, %dma_start3A_267, %dma_start3A_268] : memref<2x128x128xf32, #tpu.memory_space<vmem>> -> memref<1x128x128xf32, #tpu.memory_space<vmem>>
    %dma_start3A_270 = tpu.memref_squeeze %dma_start3A_269 : memref<1x128x128xf32, #tpu.memory_space<vmem>> -> memref<128x128xf32, #tpu.memory_space<vmem>>
    %dma_start3A_271 = arith.constant 0 : i32
    %dma_start3A_272 = tpu.memref_slice %arg5[%add3A_265, %dma_start3A_271] : memref<16384x128xf32, #tpu.memory_space<hbm>> -> memref<128x128xf32, #tpu.memory_space<hbm>>
    %dma_start3A_273 = arith.constant 0 : i32
    %dma_start3A_274 = tpu.memref_slice %arg5[%add3A_265, %dma_start3A_273] : memref<16384x128xf32, #tpu.memory_space<hbm>> -> memref<128x128xf32, #tpu.memory_space<hbm>>
    %dma_start3A_275 = arith.constant 0 : i32
    %dma_start3A_276 = arith.constant 0 : i32
    %dma_start3A_277 = tpu.memref_slice %arg9[%dma_start3A_266, %dma_start3A_275, %dma_start3A_276] : memref<2x128x128xf32, #tpu.memory_space<vmem>> -> memref<1x128x128xf32, #tpu.memory_space<vmem>>
    %dma_start3A_278 = tpu.memref_squeeze %dma_start3A_277 : memref<1x128x128xf32, #tpu.memory_space<vmem>> -> memref<128x128xf32, #tpu.memory_space<vmem>>
    tpu.enqueue_dma source(%dma_start3A_278 : memref<128x128xf32, #tpu.memory_space<vmem>>) target(%dma_start3A_274 : memref<128x128xf32, #tpu.memory_space<hbm>>) target_semaphore(%arg17 : memref<!tpu.dma_semaphore, #tpu.memory_space<semaphore_mem>>)
    %dma_wait3A_279 = arith.constant 3 : i32
    %dma_wait3A_280 = arith.constant 1 : i32
    %dma_wait3A_281 = arith.constant 0 : i32
    %dma_wait3A_282 = arith.constant 0 : i32
    %dma_wait3A_283 = tpu.memref_slice %arg8[%dma_wait3A_280, %dma_wait3A_281, %dma_wait3A_282] : memref<2x128x128xf32, #tpu.memory_space<vmem>> -> memref<1x128x128xf32, #tpu.memory_space<vmem>>
    %dma_wait3A_284 = tpu.memref_squeeze %dma_wait3A_283 : memref<1x128x128xf32, #tpu.memory_space<vmem>> -> memref<128x128xf32, #tpu.memory_space<vmem>>
    %dma_wait3A_285 = arith.constant 0 : i32
    %dma_wait3A_286 = tpu.memref_slice %arg6[%dma_wait3A_279, %dma_wait3A_285] : memref<4x128xi32, #tpu.memory_space<vmem>> -> memref<1x128xi32, #tpu.memory_space<vmem>>
    %dma_wait3A_287 = tpu.memref_squeeze %dma_wait3A_286 : memref<1x128xi32, #tpu.memory_space<vmem>> -> memref<128xi32, #tpu.memory_space<vmem>>
    %dma_wait3A_288 = arith.constant 0 : i32
    %dma_wait3A_289 = arith.constant 0 : i32
    %dma_wait3A_290 = tpu.memref_slice %arg2[%dma_wait3A_288, %dma_wait3A_289] : memref<16384x128xf32, #tpu.memory_space<hbm>> -> memref<16384x128xf32, #tpu.memory_space<hbm>>
    tpu.wait_indirect_dma semaphore(%arg14 : memref<!tpu.dma_semaphore, #tpu.memory_space<semaphore_mem>>) src(%dma_wait3A_290 : memref<16384x128xf32, #tpu.memory_space<hbm>>) dst(%dma_wait3A_284 : memref<128x128xf32, #tpu.memory_space<vmem>>)
    %dma_wait3A_291 = arith.constant 1 : i32
    %dma_wait3A_292 = arith.constant 0 : i32
    %dma_wait3A_293 = arith.constant 0 : i32
    %dma_wait3A_294 = tpu.memref_slice %arg7[%dma_wait3A_291, %dma_wait3A_292, %dma_wait3A_293] : memref<2x128x128xf32, #tpu.memory_space<vmem>> -> memref<1x128x128xf32, #tpu.memory_space<vmem>>
    %dma_wait3A_295 = tpu.memref_squeeze %dma_wait3A_294 : memref<1x128x128xf32, #tpu.memory_space<vmem>> -> memref<128x128xf32, #tpu.memory_space<vmem>>
    %dma_wait3A_296 = arith.constant 0 : i32
    %dma_wait3A_297 = tpu.memref_slice %arg2[%add3A_206, %dma_wait3A_296] : memref<16384x128xf32, #tpu.memory_space<hbm>> -> memref<128x128xf32, #tpu.memory_space<hbm>>
    %dma_wait3A_298 = arith.constant 0 : i32
    %dma_wait3A_299 = arith.constant 0 : i32
    %dma_wait3A_300 = tpu.memref_slice %arg7[%dma_wait3A_291, %dma_wait3A_298, %dma_wait3A_299] : memref<2x128x128xf32, #tpu.memory_space<vmem>> -> memref<1x128x128xf32, #tpu.memory_space<vmem>>
    %dma_wait3A_301 = tpu.memref_squeeze %dma_wait3A_300 : memref<1x128x128xf32, #tpu.memory_space<vmem>> -> memref<128x128xf32, #tpu.memory_space<vmem>>
    %dma_wait3A_302 = arith.constant 0 : i32
    %dma_wait3A_303 = tpu.memref_slice %arg2[%add3A_206, %dma_wait3A_302] : memref<16384x128xf32, #tpu.memory_space<hbm>> -> memref<128x128xf32, #tpu.memory_space<hbm>>
    tpu.wait_dma2 semaphore(%arg16 : memref<!tpu.dma_semaphore, #tpu.memory_space<semaphore_mem>>) src(%dma_wait3A_303 : memref<128x128xf32, #tpu.memory_space<hbm>>) dst(%dma_wait3A_301 : memref<128x128xf32, #tpu.memory_space<vmem>>)
    %dma_wait3A_304 = arith.constant 1 : i32
    %dma_wait3A_305 = arith.constant 0 : i32
    %dma_wait3A_306 = arith.constant 0 : i32
    %dma_wait3A_307 = tpu.memref_slice %arg9[%dma_wait3A_304, %dma_wait3A_305, %dma_wait3A_306] : memref<2x128x128xf32, #tpu.memory_space<vmem>> -> memref<1x128x128xf32, #tpu.memory_space<vmem>>
    %dma_wait3A_308 = tpu.memref_squeeze %dma_wait3A_307 : memref<1x128x128xf32, #tpu.memory_space<vmem>> -> memref<128x128xf32, #tpu.memory_space<vmem>>
    %dma_wait3A_309 = arith.constant 0 : i32
    %dma_wait3A_310 = tpu.memref_slice %arg5[%add3A_179, %dma_wait3A_309] : memref<16384x128xf32, #tpu.memory_space<hbm>> -> memref<128x128xf32, #tpu.memory_space<hbm>>
    %dma_wait3A_311 = arith.constant 0 : i32
    %dma_wait3A_312 = tpu.memref_slice %arg5[%add3A_179, %dma_wait3A_311] : memref<16384x128xf32, #tpu.memory_space<hbm>> -> memref<128x128xf32, #tpu.memory_space<hbm>>
    %dma_wait3A_313 = arith.constant 0 : i32
    %dma_wait3A_314 = arith.constant 0 : i32
    %dma_wait3A_315 = tpu.memref_slice %arg9[%dma_wait3A_304, %dma_wait3A_313, %dma_wait3A_314] : memref<2x128x128xf32, #tpu.memory_space<vmem>> -> memref<1x128x128xf32, #tpu.memory_space<vmem>>
    %dma_wait3A_316 = tpu.memref_squeeze %dma_wait3A_315 : memref<1x128x128xf32, #tpu.memory_space<vmem>> -> memref<128x128xf32, #tpu.memory_space<vmem>>
    tpu.wait_dma2 semaphore(%arg18 : memref<!tpu.dma_semaphore, #tpu.memory_space<semaphore_mem>>) src(%dma_wait3A_316 : memref<128x128xf32, #tpu.memory_space<vmem>>) dst(%dma_wait3A_312 : memref<128x128xf32, #tpu.memory_space<hbm>>)
    %scan3A_317 = arith.constant 0 : i32
    %scan3A_318 = arith.constant 0 : i32
    %scan3A_319 = arith.constant 128 : i32
    %scan3A_320 = arith.addi %scan3A_318, %scan3A_319 : i32
    %scan3A_321 = arith.constant 1 : i32
    scf.for %scan3A_364 = %scan3A_318 to %scan3A_320 step %scan3A_321  : i32 {
      %get3A_365 = arith.constant 1 : i32
      %get3A_366 = arith.index_cast %get3A_365 : i32 to index
      %get3A_367 = arith.index_cast %scan3A_364 : i32 to index
      %get3A_368 = arith.constant 0 : index
      %get3A_369 = tpu.vector_load %arg7[%get3A_366, %get3A_367, %get3A_368] {strides = array<i32>} : memref<2x128x128xf32, #tpu.memory_space<vmem>>, vector<1x1x16xf32>,
      %get3A_370 = vector.shape_cast %get3A_369 : vector<1x1x16xf32> to vector<16xf32>
      %mul3A_371 = arith.mulf %get3A_72, %get3A_370 : vector<16xf32>
      %get3A_372 = arith.constant 1 : i32
      %get3A_373 = arith.index_cast %get3A_372 : i32 to index
      %get3A_374 = arith.index_cast %scan3A_364 : i32 to index
      %get3A_375 = arith.constant 0 : index
      %get3A_376 = tpu.vector_load %arg8[%get3A_373, %get3A_374, %get3A_375] {strides = array<i32>} : memref<2x128x128xf32, #tpu.memory_space<vmem>>, vector<1x1x16xf32>,
      %get3A_377 = vector.shape_cast %get3A_376 : vector<1x1x16xf32> to vector<16xf32>
      %mul3A_378 = arith.mulf %sub3A_74, %get3A_377 : vector<16xf32>
      %add3A_379 = arith.addf %mul3A_371, %mul3A_378 : vector<16xf32>
      %swap3A = arith.constant 1 : i32
      %swap3A_380 = arith.index_cast %swap3A : i32 to index
      %swap3A_381 = arith.index_cast %scan3A_364 : i32 to index
      %swap3A_382 = arith.constant 0 : index
      %swap3A_383 = tpu.vector_load %arg9[%swap3A_380, %swap3A_381, %swap3A_382] {strides = array<i32>} : memref<2x128x128xf32, #tpu.memory_space<vmem>>, vector<1x1x16xf32>,
      %swap3A_384 = vector.shape_cast %swap3A_383 : vector<1x1x16xf32> to vector<16xf32>
      %swap3A_385 = vector.shape_cast %add3A_379 : vector<16xf32> to vector<1x1x16xf32>
      tpu.vector_store %arg9[%swap3A_380, %swap3A_381, %swap3A_382], %swap3A_385 {strides = array<i32>} : memref<2x128x128xf32, #tpu.memory_space<vmem>>, vector<1x1x16xf32>,
      %get3A_386 = arith.constant 1 : i32
      %get3A_387 = arith.index_cast %get3A_386 : i32 to index
      %get3A_388 = arith.index_cast %scan3A_364 : i32 to index
      %get3A_389 = arith.constant 16 : index
      %get3A_390 = tpu.vector_load %arg7[%get3A_387, %get3A_388, %get3A_389] {strides = array<i32>} : memref<2x128x128xf32, #tpu.memory_space<vmem>>, vector<1x1x16xf32>,
      %get3A_391 = vector.shape_cast %get3A_390 : vector<1x1x16xf32> to vector<16xf32>
      %mul3A_392 = arith.mulf %get3A_72, %get3A_391 : vector<16xf32>
      %get3A_393 = arith.constant 1 : i32
      %get3A_394 = arith.index_cast %get3A_393 : i32 to index
      %get3A_395 = arith.index_cast %scan3A_364 : i32 to index
      %get3A_396 = arith.constant 16 : index
      %get3A_397 = tpu.vector_load %arg8[%get3A_394, %get3A_395, %get3A_396] {strides = array<i32>} : memref<2x128x128xf32, #tpu.memory_space<vmem>>, vector<1x1x16xf32>,
      %get3A_398 = vector.shape_cast %get3A_397 : vector<1x1x16xf32> to vector<16xf32>
      %mul3A_399 = arith.mulf %sub3A_74, %get3A_398 : vector<16xf32>
      %add3A_400 = arith.addf %mul3A_392, %mul3A_399 : vector<16xf32>
      %swap3A_401 = arith.constant 1 : i32
      %swap3A_402 = arith.index_cast %swap3A_401 : i32 to index
      %swap3A_403 = arith.index_cast %scan3A_364 : i32 to index
      %swap3A_404 = arith.constant 16 : index
      %swap3A_405 = tpu.vector_load %arg9[%swap3A_402, %swap3A_403, %swap3A_404] {strides = array<i32>} : memref<2x128x128xf32, #tpu.memory_space<vmem>>, vector<1x1x16xf32>,
      %swap3A_406 = vector.shape_cast %swap3A_405 : vector<1x1x16xf32> to vector<16xf32>
      %swap3A_407 = vector.shape_cast %add3A_400 : vector<16xf32> to vector<1x1x16xf32>
      tpu.vector_store %arg9[%swap3A_402, %swap3A_403, %swap3A_404], %swap3A_407 {strides = array<i32>} : memref<2x128x128xf32, #tpu.memory_space<vmem>>, vector<1x1x16xf32>,
      %get3A_408 = arith.constant 1 : i32
      %get3A_409 = arith.index_cast %get3A_408 : i32 to index
      %get3A_410 = arith.index_cast %scan3A_364 : i32 to index
      %get3A_411 = arith.constant 32 : index
      %get3A_412 = tpu.vector_load %arg7[%get3A_409, %get3A_410, %get3A_411] {strides = array<i32>} : memref<2x128x128xf32, #tpu.memory_space<vmem>>, vector<1x1x16xf32>,
      %get3A_413 = vector.shape_cast %get3A_412 : vector<1x1x16xf32> to vector<16xf32>
      %mul3A_414 = arith.mulf %get3A_72, %get3A_413 : vector<16xf32>
      %get3A_415 = arith.constant 1 : i32
      %get3A_416 = arith.index_cast %get3A_415 : i32 to index
      %get3A_417 = arith.index_cast %scan3A_364 : i32 to index
      %get3A_418 = arith.constant 32 : index
      %get3A_419 = tpu.vector_load %arg8[%get3A_416, %get3A_417, %get3A_418] {strides = array<i32>} : memref<2x128x128xf32, #tpu.memory_space<vmem>>, vector<1x1x16xf32>,
      %get3A_420 = vector.shape_cast %get3A_419 : vector<1x1x16xf32> to vector<16xf32>
      %mul3A_421 = arith.mulf %sub3A_74, %get3A_420 : vector<16xf32>
      %add3A_422 = arith.addf %mul3A_414, %mul3A_421 : vector<16xf32>
      %swap3A_423 = arith.constant 1 : i32
      %swap3A_424 = arith.index_cast %swap3A_423 : i32 to index
      %swap3A_425 = arith.index_cast %scan3A_364 : i32 to index
      %swap3A_426 = arith.constant 32 : index
      %swap3A_427 = tpu.vector_load %arg9[%swap3A_424, %swap3A_425, %swap3A_426] {strides = array<i32>} : memref<2x128x128xf32, #tpu.memory_space<vmem>>, vector<1x1x16xf32>,
      %swap3A_428 = vector.shape_cast %swap3A_427 : vector<1x1x16xf32> to vector<16xf32>
      %swap3A_429 = vector.shape_cast %add3A_422 : vector<16xf32> to vector<1x1x16xf32>
      tpu.vector_store %arg9[%swap3A_424, %swap3A_425, %swap3A_426], %swap3A_429 {strides = array<i32>} : memref<2x128x128xf32, #tpu.memory_space<vmem>>, vector<1x1x16xf32>,
      %get3A_430 = arith.constant 1 : i32
      %get3A_431 = arith.index_cast %get3A_430 : i32 to index
      %get3A_432 = arith.index_cast %scan3A_364 : i32 to index
      %get3A_433 = arith.constant 48 : index
      %get3A_434 = tpu.vector_load %arg7[%get3A_431, %get3A_432, %get3A_433] {strides = array<i32>} : memref<2x128x128xf32, #tpu.memory_space<vmem>>, vector<1x1x16xf32>,
      %get3A_435 = vector.shape_cast %get3A_434 : vector<1x1x16xf32> to vector<16xf32>
      %mul3A_436 = arith.mulf %get3A_72, %get3A_435 : vector<16xf32>
      %get3A_437 = arith.constant 1 : i32
      %get3A_438 = arith.index_cast %get3A_437 : i32 to index
      %get3A_439 = arith.index_cast %scan3A_364 : i32 to index
      %get3A_440 = arith.constant 48 : index
      %get3A_441 = tpu.vector_load %arg8[%get3A_438, %get3A_439, %get3A_440] {strides = array<i32>} : memref<2x128x128xf32, #tpu.memory_space<vmem>>, vector<1x1x16xf32>,
      %get3A_442 = vector.shape_cast %get3A_441 : vector<1x1x16xf32> to vector<16xf32>
      %mul3A_443 = arith.mulf %sub3A_74, %get3A_442 : vector<16xf32>
      %add3A_444 = arith.addf %mul3A_436, %mul3A_443 : vector<16xf32>
      %swap3A_445 = arith.constant 1 : i32
      %swap3A_446 = arith.index_cast %swap3A_445 : i32 to index
      %swap3A_447 = arith.index_cast %scan3A_364 : i32 to index
      %swap3A_448 = arith.constant 48 : index
      %swap3A_449 = tpu.vector_load %arg9[%swap3A_446, %swap3A_447, %swap3A_448] {strides = array<i32>} : memref<2x128x128xf32, #tpu.memory_space<vmem>>, vector<1x1x16xf32>,
      %swap3A_450 = vector.shape_cast %swap3A_449 : vector<1x1x16xf32> to vector<16xf32>
      %swap3A_451 = vector.shape_cast %add3A_444 : vector<16xf32> to vector<1x1x16xf32>
      tpu.vector_store %arg9[%swap3A_446, %swap3A_447, %swap3A_448], %swap3A_451 {strides = array<i32>} : memref<2x128x128xf32, #tpu.memory_space<vmem>>, vector<1x1x16xf32>,
      %get3A_452 = arith.constant 1 : i32
      %get3A_453 = arith.index_cast %get3A_452 : i32 to index
      %get3A_454 = arith.index_cast %scan3A_364 : i32 to index
      %get3A_455 = arith.constant 64 : index
      %get3A_456 = tpu.vector_load %arg7[%get3A_453, %get3A_454, %get3A_455] {strides = array<i32>} : memref<2x128x128xf32, #tpu.memory_space<vmem>>, vector<1x1x16xf32>,
      %get3A_457 = vector.shape_cast %get3A_456 : vector<1x1x16xf32> to vector<16xf32>
      %mul3A_458 = arith.mulf %get3A_72, %get3A_457 : vector<16xf32>
      %get3A_459 = arith.constant 1 : i32
      %get3A_460 = arith.index_cast %get3A_459 : i32 to index
      %get3A_461 = arith.index_cast %scan3A_364 : i32 to index
      %get3A_462 = arith.constant 64 : index
      %get3A_463 = tpu.vector_load %arg8[%get3A_460, %get3A_461, %get3A_462] {strides = array<i32>} : memref<2x128x128xf32, #tpu.memory_space<vmem>>, vector<1x1x16xf32>,
      %get3A_464 = vector.shape_cast %get3A_463 : vector<1x1x16xf32> to vector<16xf32>
      %mul3A_465 = arith.mulf %sub3A_74, %get3A_464 : vector<16xf32>
      %add3A_466 = arith.addf %mul3A_458, %mul3A_465 : vector<16xf32>
      %swap3A_467 = arith.constant 1 : i32
      %swap3A_468 = arith.index_cast %swap3A_467 : i32 to index
      %swap3A_469 = arith.index_cast %scan3A_364 : i32 to index
      %swap3A_470 = arith.constant 64 : index
      %swap3A_471 = tpu.vector_load %arg9[%swap3A_468, %swap3A_469, %swap3A_470] {strides = array<i32>} : memref<2x128x128xf32, #tpu.memory_space<vmem>>, vector<1x1x16xf32>,
      %swap3A_472 = vector.shape_cast %swap3A_471 : vector<1x1x16xf32> to vector<16xf32>
      %swap3A_473 = vector.shape_cast %add3A_466 : vector<16xf32> to vector<1x1x16xf32>
      tpu.vector_store %arg9[%swap3A_468, %swap3A_469, %swap3A_470], %swap3A_473 {strides = array<i32>} : memref<2x128x128xf32, #tpu.memory_space<vmem>>, vector<1x1x16xf32>,
      %get3A_474 = arith.constant 1 : i32
      %get3A_475 = arith.index_cast %get3A_474 : i32 to index
      %get3A_476 = arith.index_cast %scan3A_364 : i32 to index
      %get3A_477 = arith.constant 80 : index
      %get3A_478 = tpu.vector_load %arg7[%get3A_475, %get3A_476, %get3A_477] {strides = array<i32>} : memref<2x128x128xf32, #tpu.memory_space<vmem>>, vector<1x1x16xf32>,
      %get3A_479 = vector.shape_cast %get3A_478 : vector<1x1x16xf32> to vector<16xf32>
      %mul3A_480 = arith.mulf %get3A_72, %get3A_479 : vector<16xf32>
      %get3A_481 = arith.constant 1 : i32
      %get3A_482 = arith.index_cast %get3A_481 : i32 to index
      %get3A_483 = arith.index_cast %scan3A_364 : i32 to index
      %get3A_484 = arith.constant 80 : index
      %get3A_485 = tpu.vector_load %arg8[%get3A_482, %get3A_483, %get3A_484] {strides = array<i32>} : memref<2x128x128xf32, #tpu.memory_space<vmem>>, vector<1x1x16xf32>,
      %get3A_486 = vector.shape_cast %get3A_485 : vector<1x1x16xf32> to vector<16xf32>
      %mul3A_487 = arith.mulf %sub3A_74, %get3A_486 : vector<16xf32>
      %add3A_488 = arith.addf %mul3A_480, %mul3A_487 : vector<16xf32>
      %swap3A_489 = arith.constant 1 : i32
      %swap3A_490 = arith.index_cast %swap3A_489 : i32 to index
      %swap3A_491 = arith.index_cast %scan3A_364 : i32 to index
      %swap3A_492 = arith.constant 80 : index
      %swap3A_493 = tpu.vector_load %arg9[%swap3A_490, %swap3A_491, %swap3A_492] {strides = array<i32>} : memref<2x128x128xf32, #tpu.memory_space<vmem>>, vector<1x1x16xf32>,
      %swap3A_494 = vector.shape_cast %swap3A_493 : vector<1x1x16xf32> to vector<16xf32>
      %swap3A_495 = vector.shape_cast %add3A_488 : vector<16xf32> to vector<1x1x16xf32>
      tpu.vector_store %arg9[%swap3A_490, %swap3A_491, %swap3A_492], %swap3A_495 {strides = array<i32>} : memref<2x128x128xf32, #tpu.memory_space<vmem>>, vector<1x1x16xf32>,
      %get3A_496 = arith.constant 1 : i32
      %get3A_497 = arith.index_cast %get3A_496 : i32 to index
      %get3A_498 = arith.index_cast %scan3A_364 : i32 to index
      %get3A_499 = arith.constant 96 : index
      %get3A_500 = tpu.vector_load %arg7[%get3A_497, %get3A_498, %get3A_499] {strides = array<i32>} : memref<2x128x128xf32, #tpu.memory_space<vmem>>, vector<1x1x16xf32>,
      %get3A_501 = vector.shape_cast %get3A_500 : vector<1x1x16xf32> to vector<16xf32>
      %mul3A_502 = arith.mulf %get3A_72, %get3A_501 : vector<16xf32>
      %get3A_503 = arith.constant 1 : i32
      %get3A_504 = arith.index_cast %get3A_503 : i32 to index
      %get3A_505 = arith.index_cast %scan3A_364 : i32 to index
      %get3A_506 = arith.constant 96 : index
      %get3A_507 = tpu.vector_load %arg8[%get3A_504, %get3A_505, %get3A_506] {strides = array<i32>} : memref<2x128x128xf32, #tpu.memory_space<vmem>>, vector<1x1x16xf32>,
      %get3A_508 = vector.shape_cast %get3A_507 : vector<1x1x16xf32> to vector<16xf32>
      %mul3A_509 = arith.mulf %sub3A_74, %get3A_508 : vector<16xf32>
      %add3A_510 = arith.addf %mul3A_502, %mul3A_509 : vector<16xf32>
      %swap3A_511 = arith.constant 1 : i32
      %swap3A_512 = arith.index_cast %swap3A_511 : i32 to index
      %swap3A_513 = arith.index_cast %scan3A_364 : i32 to index
      %swap3A_514 = arith.constant 96 : index
      %swap3A_515 = tpu.vector_load %arg9[%swap3A_512, %swap3A_513, %swap3A_514] {strides = array<i32>} : memref<2x128x128xf32, #tpu.memory_space<vmem>>, vector<1x1x16xf32>,
      %swap3A_516 = vector.shape_cast %swap3A_515 : vector<1x1x16xf32> to vector<16xf32>
      %swap3A_517 = vector.shape_cast %add3A_510 : vector<16xf32> to vector<1x1x16xf32>
      tpu.vector_store %arg9[%swap3A_512, %swap3A_513, %swap3A_514], %swap3A_517 {strides = array<i32>} : memref<2x128x128xf32, #tpu.memory_space<vmem>>, vector<1x1x16xf32>,
      %get3A_518 = arith.constant 1 : i32
      %get3A_519 = arith.index_cast %get3A_518 : i32 to index
      %get3A_520 = arith.index_cast %scan3A_364 : i32 to index
      %get3A_521 = arith.constant 112 : index
      %get3A_522 = tpu.vector_load %arg7[%get3A_519, %get3A_520, %get3A_521] {strides = array<i32>} : memref<2x128x128xf32, #tpu.memory_space<vmem>>, vector<1x1x16xf32>,
      %get3A_523 = vector.shape_cast %get3A_522 : vector<1x1x16xf32> to vector<16xf32>
      %mul3A_524 = arith.mulf %get3A_72, %get3A_523 : vector<16xf32>
      %get3A_525 = arith.constant 1 : i32
      %get3A_526 = arith.index_cast %get3A_525 : i32 to index
      %get3A_527 = arith.index_cast %scan3A_364 : i32 to index
      %get3A_528 = arith.constant 112 : index
      %get3A_529 = tpu.vector_load %arg8[%get3A_526, %get3A_527, %get3A_528] {strides = array<i32>} : memref<2x128x128xf32, #tpu.memory_space<vmem>>, vector<1x1x16xf32>,
      %get3A_530 = vector.shape_cast %get3A_529 : vector<1x1x16xf32> to vector<16xf32>
      %mul3A_531 = arith.mulf %sub3A_74, %get3A_530 : vector<16xf32>
      %add3A_532 = arith.addf %mul3A_524, %mul3A_531 : vector<16xf32>
      %swap3A_533 = arith.constant 1 : i32
      %swap3A_534 = arith.index_cast %swap3A_533 : i32 to index
      %swap3A_535 = arith.index_cast %scan3A_364 : i32 to index
      %swap3A_536 = arith.constant 112 : index
      %swap3A_537 = tpu.vector_load %arg9[%swap3A_534, %swap3A_535, %swap3A_536] {strides = array<i32>} : memref<2x128x128xf32, #tpu.memory_space<vmem>>, vector<1x1x16xf32>,
      %swap3A_538 = vector.shape_cast %swap3A_537 : vector<1x1x16xf32> to vector<16xf32>
      %swap3A_539 = vector.shape_cast %add3A_532 : vector<16xf32> to vector<1x1x16xf32>
      tpu.vector_store %arg9[%swap3A_534, %swap3A_535, %swap3A_536], %swap3A_539 {strides = array<i32>} : memref<2x128x128xf32, #tpu.memory_space<vmem>>, vector<1x1x16xf32>,
    }
    %scan3A_322 = arith.constant 128 : i32
    %add3A_323 = arith.constant 384 : i32
    %add3A_324 = arith.addi %mul3A_2, %add3A_323 : i32
    %dma_start3A_325 = arith.constant 1 : i32
    %dma_start3A_326 = arith.constant 0 : i32
    %dma_start3A_327 = arith.constant 0 : i32
    %dma_start3A_328 = tpu.memref_slice %arg9[%dma_start3A_325, %dma_start3A_326, %dma_start3A_327] : memref<2x128x128xf32, #tpu.memory_space<vmem>> -> memref<1x128x128xf32, #tpu.memory_space<vmem>>
    %dma_start3A_329 = tpu.memref_squeeze %dma_start3A_328 : memref<1x128x128xf32, #tpu.memory_space<vmem>> -> memref<128x128xf32, #tpu.memory_space<vmem>>
    %dma_start3A_330 = arith.constant 0 : i32
    %dma_start3A_331 = tpu.memref_slice %arg5[%add3A_324, %dma_start3A_330] : memref<16384x128xf32, #tpu.memory_space<hbm>> -> memref<128x128xf32, #tpu.memory_space<hbm>>
    %dma_start3A_332 = arith.constant 0 : i32
    %dma_start3A_333 = tpu.memref_slice %arg5[%add3A_324, %dma_start3A_332] : memref<16384x128xf32, #tpu.memory_space<hbm>> -> memref<128x128xf32, #tpu.memory_space<hbm>>
    %dma_start3A_334 = arith.constant 0 : i32
    %dma_start3A_335 = arith.constant 0 : i32
    %dma_start3A_336 = tpu.memref_slice %arg9[%dma_start3A_325, %dma_start3A_334, %dma_start3A_335] : memref<2x128x128xf32, #tpu.memory_space<vmem>> -> memref<1x128x128xf32, #tpu.memory_space<vmem>>
    %dma_start3A_337 = tpu.memref_squeeze %dma_start3A_336 : memref<1x128x128xf32, #tpu.memory_space<vmem>> -> memref<128x128xf32, #tpu.memory_space<vmem>>
    tpu.enqueue_dma source(%dma_start3A_337 : memref<128x128xf32, #tpu.memory_space<vmem>>) target(%dma_start3A_333 : memref<128x128xf32, #tpu.memory_space<hbm>>) target_semaphore(%arg18 : memref<!tpu.dma_semaphore, #tpu.memory_space<semaphore_mem>>)
    %dma_wait3A_338 = arith.constant 0 : i32
    %dma_wait3A_339 = arith.constant 0 : i32
    %dma_wait3A_340 = arith.constant 0 : i32
    %dma_wait3A_341 = tpu.memref_slice %arg9[%dma_wait3A_338, %dma_wait3A_339, %dma_wait3A_340] : memref<2x128x128xf32, #tpu.memory_space<vmem>> -> memref<1x128x128xf32, #tpu.memory_space<vmem>>
    %dma_wait3A_342 = tpu.memref_squeeze %dma_wait3A_341 : memref<1x128x128xf32, #tpu.memory_space<vmem>> -> memref<128x128xf32, #tpu.memory_space<vmem>>
    %dma_wait3A_343 = arith.constant 0 : i32
    %dma_wait3A_344 = tpu.memref_slice %arg5[%add3A_265, %dma_wait3A_343] : memref<16384x128xf32, #tpu.memory_space<hbm>> -> memref<128x128xf32, #tpu.memory_space<hbm>>
    %dma_wait3A_345 = arith.constant 0 : i32
    %dma_wait3A_346 = tpu.memref_slice %arg5[%add3A_265, %dma_wait3A_345] : memref<16384x128xf32, #tpu.memory_space<hbm>> -> memref<128x128xf32, #tpu.memory_space<hbm>>
    %dma_wait3A_347 = arith.constant 0 : i32
    %dma_wait3A_348 = arith.constant 0 : i32
    %dma_wait3A_349 = tpu.memref_slice %arg9[%dma_wait3A_338, %dma_wait3A_347, %dma_wait3A_348] : memref<2x128x128xf32, #tpu.memory_space<vmem>> -> memref<1x128x128xf32, #tpu.memory_space<vmem>>
    %dma_wait3A_350 = tpu.memref_squeeze %dma_wait3A_349 : memref<1x128x128xf32, #tpu.memory_space<vmem>> -> memref<128x128xf32, #tpu.memory_space<vmem>>
    tpu.wait_dma2 semaphore(%arg17 : memref<!tpu.dma_semaphore, #tpu.memory_space<semaphore_mem>>) src(%dma_wait3A_350 : memref<128x128xf32, #tpu.memory_space<vmem>>) dst(%dma_wait3A_346 : memref<128x128xf32, #tpu.memory_space<hbm>>)
    %dma_wait3A_351 = arith.constant 1 : i32
    %dma_wait3A_352 = arith.constant 0 : i32
    %dma_wait3A_353 = arith.constant 0 : i32
    %dma_wait3A_354 = tpu.memref_slice %arg9[%dma_wait3A_351, %dma_wait3A_352, %dma_wait3A_353] : memref<2x128x128xf32, #tpu.memory_space<vmem>> -> memref<1x128x128xf32, #tpu.memory_space<vmem>>
    %dma_wait3A_355 = tpu.memref_squeeze %dma_wait3A_354 : memref<1x128x128xf32, #tpu.memory_space<vmem>> -> memref<128x128xf32, #tpu.memory_space<vmem>>
    %dma_wait3A_356 = arith.constant 0 : i32
    %dma_wait3A_357 = tpu.memref_slice %arg5[%add3A_324, %dma_wait3A_356] : memref<16384x128xf32, #tpu.memory_space<hbm>> -> memref<128x128xf32, #tpu.memory_space<hbm>>
    %dma_wait3A_358 = arith.constant 0 : i32
    %dma_wait3A_359 = tpu.memref_slice %arg5[%add3A_324, %dma_wait3A_358] : memref<16384x128xf32, #tpu.memory_space<hbm>> -> memref<128x128xf32, #tpu.memory_space<hbm>>
    %dma_wait3A_360 = arith.constant 0 : i32
    %dma_wait3A_361 = arith.constant 0 : i32
    %dma_wait3A_362 = tpu.memref_slice %arg9[%dma_wait3A_351, %dma_wait3A_360, %dma_wait3A_361] : memref<2x128x128xf32, #tpu.memory_space<vmem>> -> memref<1x128x128xf32, #tpu.memory_space<vmem>>
    %dma_wait3A_363 = tpu.memref_squeeze %dma_wait3A_362 : memref<1x128x128xf32, #tpu.memory_space<vmem>> -> memref<128x128xf32, #tpu.memory_space<vmem>>
    tpu.wait_dma2 semaphore(%arg18 : memref<!tpu.dma_semaphore, #tpu.memory_space<semaphore_mem>>) src(%dma_wait3A_363 : memref<128x128xf32, #tpu.memory_space<vmem>>) dst(%dma_wait3A_359 : memref<128x128xf32, #tpu.memory_space<hbm>>)
    return
  }
}

</mosaic_0001>

<sc_bundles>
// kernel: _mix.3.cloned.1.call-start
scs
__scs_entry_jumppad:
0x0: {  	(pc) =	sbr.rel $0x88, $3  }
0x1: {  	(tag) =	ssettag $0x0;
	lr =	simm.s32 $0x1  }
0x2: {  	[smem:$0x3F9E] =	sst lr;
	_ =	strace $0xD0000000  }
0x3: {  	_ = 	snop  }
0x4: {  	_ = 	snop  }
0x5: {  	_ = 	snop  }
0x6: {  	_ = 	snop  }
0x7: {  	_ = 	snop  }
__scs_overlays_trampoline_lowered:
0x8: {  	[smem:$0x3FAD] =	sst s0  }
0x9: {  	[smem:$0x3FAE] =	sst s1  }
0xa: {  	[smem:$0x3FAF] =	sst s2  }
0xb: {  	[smem:$0x3FB0] =	sst s3  }
0xc: {  	[smem:$0x3FB1] =	sst s4  }
0xd: {  	[smem:$0x3FB2] =	sst s5  }
0xe: {  	[smem:$0x3FB3] =	sst s6  }
0xf: {  	[smem:$0x3FB4] =	sst s7  }
0x10: {  	[smem:$0x3FB5] =	sst s8  }
0x11: {  	[smem:$0x3FB6] =	sst s9;
	s0 =	simm.s32 @!p0 $0x0  }
0x12: {  	s1 =	sld [smem:$0x3F9C];
	s0 =	simm.s32 @p0 $0x1  }
0x13: {  	[smem:$0x3FB7] =	sst s0;
	s0 =	simm.s32 @!p1 $0x0  }
0x14: {  	s2 =	sld [smem:$0x3F9B];
	s0 =	simm.s32 @p1 $0x1  }
0x15: {  	[smem:$0x3FB8] =	sst s0;
	s0 =	simm.s32 @!p2 $0x0  }
0x16: {  	s3 =	sld [smem:$0x3FDB];
	s0 =	simm.s32 @p2 $0x1  }
0x17: {  	s4 =	simm.s32 $0x1BF5;
	[smem:$0x3FBA] =	sst s0  }
0x18: {  	s0 =	sld [smem:$0x3F9D];
	_ =	swait.ge [sflag:s4], $0x0  }
0x19: {  	s7 =	sld [smem:$0x3F9E]  }
0x1a: {  	s8 =	sadd.s32 $0xFFFFE003, lr  }
0x1b: {  	s9 =	sadd.s32 $0xFFFFFEF7, lr;
	s5 =	simm.s32 $0xFFFFFFFF;
	p2 =	slt.u32 s8, $0xFFFFF086  }
0x1c: {  	p1 =	slt.u32 s9, $0xF7A;
	s5 =	simm.s32 @!p2 $0x0  }
0x1d: {  	s5 =	simm.s32 @p1 $0x1;
	p0 =	seq.s32 s7, s2  }
0x1e: {  	s7 =	smul.u32 @!p0 $0xF7A, s2;
	p2 =	seq.s32 @!p0 s5, $0x0  }
0x1f: {  	s9 =	smul.u32 $0xF7A, s1;
	s8 =	simm.s32 @!p0 $0x1BF5;
	p2 =	por !p2, p0  }
0x20: {  	[sflag:s8] =	ssyncset.s32 @!p0 $0xFFFFF086;
	s6 =	sadd.s32 @!p0 s3, s7;
	s7 =	simm.s32 @!p0 $0x108  }
0x21: {  	s3 =	sadd.s32 s3, s9;
	s6 =	sadd.s32 @!p0 $0x88, s6;
	s7 =	simm.s32 @p2 $0x1082  }
0x22: {  	[simem:s7], [sflag:s8] =	dma.local @!p0 [hbm:s6], $0xF7A  }
0x23: {  	s9 =	sor.u32 $0xD0000000, s2;
	s6 =	simm.s32 $0x108;
	_ =	swait.ge @!p0 [sflag:s8], $0x0  }
0x24: {  	s3 =	sadd.s32 $0x88, s3;
	s6 =	simm.s32 @!p1 $0x1082;
	[sflag:s4] =	ssyncset.s32 $0xFFFFF086  }
0x25: {  	[simem:s6], [sflag:s4] =	dma.local [hbm:s3], $0xF7A  }
0x26: {  	[smem:$0x3F9E] =	sst s1;
	(tag) =	ssettag s2;
	_ =	strace s9  }
0x27: {  	s1 =	sld [smem:$0x3FAE]  }
0x28: {  	s2 =	sld [smem:$0x3FAF]  }
0x29: {  	s4 =	sld [smem:$0x3FB1]  }
0x2a: {  	p0 =	seq.s32 s5, $0x0;
	s5 =	sld [smem:$0x3FB2]  }
0x2b: {  	s6 =	sld [smem:$0x3FB3]  }
0x2c: {  	s7 =	sld [smem:$0x3FB4]  }
0x2d: {  	s3 =	simm.s32 $0x108;
	s8 =	sld [smem:$0x3FB5]  }
0x2e: {  	s3 =	simm.s32 @!p0 $0x1082;
	s9 =	sld [smem:$0x3FB6]  }
0x2f: {  	lr =	sadd.s32 s0, s3;
	s0 =	sld [smem:$0x3FAD]  }
0x30: {  	s3 =	sld [smem:$0x3FB0]  }
0x31: {  	[smem:$0x3FB9] =	sst s10  }
0x32: {  	s10 =	sld [smem:$0x3FB7];
	_ =	sdelay $0x3  }
0x33: {  	p0 =	seq.s32 s10, $0x1;
	s10 =	sld [smem:$0x3FB9];
	_ =	sdelay $0x3  }
0x34: {  	[smem:$0x3FB9] =	sst s10  }
0x35: {  	s10 =	sld [smem:$0x3FB8];
	_ =	sdelay $0x3  }
0x36: {  	p1 =	seq.s32 s10, $0x1;
	s10 =	sld [smem:$0x3FB9];
	_ =	sdelay $0x3  }
0x37: {  	[smem:$0x3FB9] =	sst s10  }
0x38: {  	s10 =	sld [smem:$0x3FBA]  }
0x39: {  	_ = 	snop;
	(pc) =	sbr.ind lr, $3  }
0x3a: {  	_ = 	snop  }
0x3b: {  	_ = 	snop  }
0x3c: {  	p2 =	seq.s32 s10, $0x1;
	s10 =	sld [smem:$0x3FB9]  }
0x3d: {  	_ =	shalt  }
0x3e: {  	_ =	shalt  }
0x3f: {  	_ =	shalt  }
0x40: {  	_ =	shalt  }
0x41: {  	_ =	shalt  }
0x42: {  	_ =	shalt  }
0x43: {  	_ =	shalt  }
0x44: {  	_ =	shalt  }
0x45: {  	_ =	shalt  }
0x46: {  	_ =	shalt  }
0x47: {  	_ =	shalt  }
0x48: {  	_ =	shalt  }
0x49: {  	_ =	shalt  }
0x4a: {  	_ =	shalt  }
0x4b: {  	_ =	shalt  }
0x4c: {  	_ =	shalt  }
0x4d: {  	_ =	shalt  }
0x4e: {  	_ =	shalt  }
0x4f: {  	_ =	shalt  }
0x50: {  	_ =	shalt  }
0x51: {  	_ =	shalt  }
0x52: {  	_ =	shalt  }
0x53: {  	_ =	shalt  }
0x54: {  	_ =	shalt  }
0x55: {  	_ =	shalt  }
0x56: {  	_ =	shalt  }
0x57: {  	_ =	shalt  }
0x58: {  	_ =	shalt  }
0x59: {  	_ =	shalt  }
0x5a: {  	_ =	shalt  }
0x5b: {  	_ =	shalt  }
0x5c: {  	_ =	shalt  }
0x5d: {  	_ =	shalt  }
0x5e: {  	_ =	shalt  }
0x5f: {  	_ =	shalt  }
0x60: {  	_ =	shalt  }
0x61: {  	_ =	shalt  }
0x62: {  	_ =	shalt  }
0x63: {  	_ =	shalt  }
0x64: {  	_ =	shalt  }
0x65: {  	_ =	shalt  }
0x66: {  	_ =	shalt  }
0x67: {  	_ =	shalt  }
0x68: {  	_ =	shalt  }
0x69: {  	_ =	shalt  }
0x6a: {  	_ =	shalt  }
0x6b: {  	_ =	shalt  }
0x6c: {  	_ =	shalt  }
0x6d: {  	_ =	shalt  }
0x6e: {  	_ =	shalt  }
0x6f: {  	_ =	shalt  }
0x70: {  	_ =	shalt  }
0x71: {  	_ =	shalt  }
0x72: {  	_ =	shalt  }
0x73: {  	_ =	shalt  }
0x74: {  	_ =	shalt  }
0x75: {  	_ =	shalt  }
0x76: {  	_ =	shalt  }
0x77: {  	_ =	shalt  }
0x78: {  	_ =	shalt  }
0x79: {  	_ =	shalt  }
0x7a: {  	_ =	shalt  }
0x7b: {  	_ =	shalt  }
0x7c: {  	_ =	shalt  }
0x7d: {  	_ =	shalt  }
0x7e: {  	_ =	shalt  }
0x7f: {  	_ =	shalt  }
0x80: {  	_ =	shalt  }
0x81: {  	_ =	shalt  }
0x82: {  	_ =	shalt  }
0x83: {  	_ =	shalt  }
0x84: {  	_ =	shalt  }
0x85: {  	_ =	shalt  }
0x86: {  	_ =	shalt  }
0x87: {  	_ =	shalt  }
.Lfunc_end0:
.L_simem_size_0:
called_computation_lowered:
.L_overlay_start_0:
0x88: {  	s2 =	sld [smem:$0x3FD9]  }
0x89: {  	s3 =	sld [smem:$0x3FFE];
	_ =	sdelay $0x1  }
0x8a: {  	s1 =	srdreg.scid  }
0x8b: {  	s0 =	sand.u32 $0x1, s1  }
0x8c: {  	s18 =	sshll.u32 s0, $0xA;
	s2 =	sadd.s32 s3, s2  }
0x8d: {  	s2 =	sadd.s32 s2, s18  }
0x8e: {  	[smem:$0x3FC5] =	sst s2  }
0x8f: {  	_ = 	snop  }
0x90: {  	s2 =	sld [smem:$0x3FC9]  }
0x91: {  	s19 =	sld [smem:$0x3FC8]  }
0x92: {  	s4 =	sld [smem:$0x3FC7]  }
0x93: {  	s5 =	sld [smem:$0x3FD0];
	(tm) =	ssettm $0x1  }
0x94: {  	s6 =	sld [smem:$0x3FFB];
	_ =	sdelay $0x3  }
0x95: {  	_ =	strace s6  }
0x96: {  	s6 =	sld [smem:$0x3FFC];
	_ =	sdelay $0x3  }
0x97: {  	_ =	strace s6  }
0x98: {  	s6 =	sld [smem:$0x3FFD];
	_ =	sdelay $0x3  }
0x99: {  	_ =	strace s6  }
0x9a: {  	_ =	strace $0x8FFFFFFF  }
0x9b: {  	s20 =	sld [smem:$0x3FDB];
	_ =	sdelay $0x1  }
0x9c: {  	s7 =	simm.s32 $_scs_section_size  }
0x9d: {  	s8 =	simm.s32 $_size__tile_overlayer_lowered;
	s9 =	simm.s32 $_tile_overlayer_lowered  }
0x9e: {  	s23 =	simm.s32 $0x1BFF;
	s22 =	sshll.u32 s9, $0x1;
	s6 =	sadd.s32 s7, s20  }
0x9f: {  	s10 =	simm.s32 $0x0;
	s21 =	sshll.u32 s8, $0x1;
	s8 =	sadd.s32 s22, s6  }
0xa0: {  	[timem:s10], [sflag:s23] =	dma.local [hbm:s8], s21  }
0xa1: {  	_ =	swait.ge [sflag:s23], s21  }
0xa2: {  	s7 =	ssub.s32 $0x0, s21;
	[sflag:s23] =	ssyncset.done $0x0  }
0xa3: {  	[sflag:s23] =	ssyncadd.s32 s7;
	_ =	sdelay $0x1  }
0xa4: {  	s24 =	simm.s32 $0x1B8B  }
0xa5: {  	_ =	swait.ge [sflag:s24], $0x1  }
0xa6: {  	[sflag:s24] =	ssyncset.done $0x0  }
0xa7: {  	s25 =	simm.s32 $0x1B8E;
	[sflag:s24] =	ssyncadd.s32 $0xFFFFFFFF  }
0xa8: {  	s26 =	simm.s32 $execute0_lowered;
	[smem:$0x3FD2] =	sst s25  }
0xa9: {  	s7 =	sshll.u32 s26, $0x1;
	_ =	strace $0x80000046;
	[dreg:$0x1] =	wrdreg $0xFFFFFFFF  }
0xaa: {  	s28 =	simm.s32 $_size_execute0_lowered;
	s6 =	sadd.s32 s6, s7;
	[dreg:$0x0] =	wrdreg $0x0  }
0xab: {  	s7 =	sshll.u32 s28, $0x1;
	[dreg:$0x2] =	wrdreg s6  }
0xac: {  	[dreg:$0x3] =	wrdreg s7  }
0xad: {  	[dreg:$0x4] =	wrdreg $0xC0  }
0xae: {  	_ =	task [dreg:s10], $0x5FFFF  }
0xaf: {  	[dreg:$0x1] =	wrdreg $0xFFFFFFFF  }
0xb0: {  	[dreg:$0x0] =	wrdreg $0x60  }
0xb1: {  	[dreg:$0x2] =	wrdreg s2  }
0xb2: {  	[dreg:$0x3] =	wrdreg s19  }
0xb3: {  	[dreg:$0x4] =	wrdreg s4  }
0xb4: {  	[dreg:$0x5] =	wrdreg s5  }
0xb5: {  	[dreg:$0x6] =	wrdreg $0x9  }
0xb6: {  	_ =	task.clear_ibuf [dreg:s10], $0x7FFFF;
	_ =	strace $0x90000046  }
0xb7: {  	s29 =	simm.s32 $0x9;
	_ =	strace $0x80000048  }
0xb8: {  	_ =	swait.ge [sflag:s29], $0x1  }
0xb9: {  	[sflag:s29] =	ssyncadd.s32 $0xFFFFFFFF  }
0xba: {  	_ =	strace $0x90000048  }
0xbb: {  	_ =	sfence  }
0xbc: {  	s30 =	sld [smem:$0x0];
	_ =	sdelay $0x2  }
0xbd: {  	s31 =	sshll.u32 s1, $0xD;
	s1 =	sshrl.u32 s1, $0x2  }
0xbe: {  	s3 =	sand.u32 $0x4000, s31;
	s1 =	sadd.s32 s1, s30  }
0xbf: {  	s0 =	sor.u32 s3, s0;
	s1 =	sshll.u32 s1, $0x11  }
0xc0: {  	s0 =	sor.u32 s1, s0  }
0xc1: {  	s0 =	sadd.s32 $0x8F2B, s0  }
0xc2: {  	[sflag:s0] =	ssyncadd.remote.s32 $0x1  }
0xc3: {  	_ =	sfence.sel $0xFFFF  }
0xc4: {  	[dreg:$0x0] =	wrdreg $0xFFFFFFFF;
	(pc) =	sbr.abs _section_cstart, $3  }
0xc5: {  	[dreg:$0x1] =	wrdreg $0xFFFFFFFF  }
0xc6: {  	_ =	task.clear_ibuf [dreg:s10], $0x2FFFF;
	_ =	strace $0x9FFFFFFF  }
0xc7: {  	(tm) =	ssettm $0x7FFFFFFF  }
tec
execute0_lowered:
.L_overlay_start_1:
0x0: {  	(tag) =	ssettag $0x1  }
0x1: {  	s1 =	rddreg [dreg:$0x0]  }
0x2: {  	s0 =	rddreg [dreg:$0x1]  }
0x3: {  	s2 =	rddreg [dreg:$0x3];
	s3 =	srdreg.scid  }
0x4: {  	s4 =	simm.s32 $0x0;
	s5 =	stileid.u32;
	s16 =	simm.s32 $0x200  }
0x5: {  	s17 =	simm.s32 $0x4200;
	s18 =	simm.s32 $0x2;
	s19 =	simm.s32 $0x80  }
0x6: {  	s20 =	simm.s32 $0x8200;
	s21 =	simm.s32 $0xC200;
	s22 =	simm.s32 $0x1  }
0x7: {  	s23 =	simm.s32 $0x3;
	s24 =	simm.s32 $0x5;
	s25 =	simm.s32 $0x10200  }
0x8: {  	s28 =	simm.s32 $0x4;
	s29 =	simm.s32 $0x6;
	s3 =	sand.u32 $0x1, s3  }
0x9: {  	s30 =	simm.s32 $0x14200;
	s5 =	sshll.u32 s5, $0xA;
	s6 =	sshll.u32 s3, $0x9  }
0xa: {  	[smem:$0x7FF] =	sst s4;
	s3 =	ssub.s32 $0x2, s3;
	s5 =	sor.u32 s6, s5  }
0xb: {  	_ =	strace $0x80000047;
	s26 =	sshrl.u32 s3, $0x1;
	s7 =	sshrl.u32 s5, $0x3  }
0xc: {  	s10 =	sshll.u32 s5, $0x4;
	s3 =	ssub.s32 s3, s26;
	s5 =	sadd.s32 s0, s7  }
0xd: {  	s31 =	sor.u32 $0x800, s10;
	s6 =	sadd.s32 s1, s10;
	s12 =	sor.u32 $0x1000, s10  }
0xe: {  	s8 =	sadd.s32 s2, s10;
	s13 =	sor.u32 $0x1800, s10;
	s14 =	smax.u32 s3, $0x1  }
0xf: {  	s0 =	simm.s32 $0x7;
	s3 =	simm.s32 $0x8;
	s7 =	sadd.s32 s1, s31  }
0x10: {  	s9 =	sadd.s32 s1, s12;
	s10 =	sadd.s32 s2, s31;
	s11 =	sadd.s32 s1, s13  }
0x11: {  	s12 =	sadd.s32 s2, s12;
	s13 =	sadd.s32 s2, s13;
	s2 =	simm.s32 $0x0  }
.LBB2_1:
0x12: {  	s15 =	rddreg [dreg:$0x2];
	s26 =	simm.s32 $0x18200  }
0x13: {  	[tilespmem:s26], [sflag:$0x1] =	stream.linear.gather [hbm4b:s15+s4], $0x80, $0x38;
	[tilespmem:$0x18280] =	vst v63  }
0x14: {  	_ = 	snop  }
0x15: {  	[tilespmem:s4], [sflag:$0x2] =	stream.linear.gather [hbm4b:s5+s4], $0x200, $0x38;
	[tilespmem:$0x18280] =	vst v63  }
0x16: {  	_ = 	snop  }
0x17: {  	[tilespmem:s16], [sflag:$0x5] =	stream.linear.gather [hbm4b:s6+s4], $0x4000, $0x38;
	[tilespmem:$0x18280] =	vst v63  }
0x18: {  	_ = 	snop  }
0x19: {  	[tilespmem:s17], [sflag:$0x6] =	stream.linear.gather [hbm4b:s7+s4], $0x4000, $0x38;
	[tilespmem:$0x18280] =	vst v63  }
0x1a: {  	_ =	swait.ge [sflag:s18], $0x200  }
0x1b: {  	[sflag:s18] =	ssyncset.done $0x0  }
0x1c: {  	[sflag:s18] =	ssyncadd.s32 $0xFFFFFE00  }
0x1d: {  	[tilespmem:s20], [sflag:$0x3] =	stream.indirect.gather [hbm4b:s1+s19], $0x80, s4, s19, $0xb8;
	[tilespmem:$0x18280] =	vst v63  }
0x1e: {  	_ = 	snop  }
0x1f: {  	[tilespmem:s21], [sflag:$0x4] =	stream.indirect.gather [hbm4b:s1+s19], $0x80, s19, s19, $0xb8;
	[tilespmem:$0x18280] =	vst v63  }
0x20: {  	_ =	swait.ge [sflag:s22], $0x80  }
0x21: {  	[sflag:s22] =	ssyncset.done $0x0  }
0x22: {  	[sflag:s22] =	ssyncadd.s32 $0xFFFFFF80  }
0x23: {  	v0 =	vld [tilespmem:$0x18200];
	_ =	swait.ge [sflag:s23], $0x4000  }
0x24: {  	[sflag:s23] =	ssyncset.done $0x0  }
0x25: {  	[sflag:s23] =	ssyncadd.s32 $0xFFFFC000  }
0x26: {  	_ =	swait.ge [sflag:s24], $0x4000  }
0x27: {  	[sflag:s24] =	ssyncset.done $0x0  }
0x28: {  	s15 =	simm.s32 $0x0;
	[sflag:s24] =	ssyncadd.s32 $0xFFFFC000  }
0x29: {  	v2 =	vld [tilespmem:s15+$0x270]  }
0x2a: {  	v3 =	vld [tilespmem:s15+$0x8270]  }
0x2b: {  	v4 =	vld [tilespmem:s15+$0x200]  }
0x2c: {  	v5 =	vld [tilespmem:s15+$0x8200]  }
0x2d: {  	v6 =	vld [tilespmem:s15+$0x210]  }
0x2e: {  	v1 =	vsub.f32 $1.000000000e+00, v0;
	v7 =	vld [tilespmem:s15+$0x8210]  }
0x2f: {  	v8 =	vld [tilespmem:s15+$0x220]  }
0x30: {  	v9 =	vld [tilespmem:s15+$0x8220];
	v2 =	vmul.f32 v2, v0;
	v3 =	vmul.f32 v3, v1  }
0x31: {  	v10 =	vld [tilespmem:s15+$0x230]  }
0x32: {  	v11 =	vld [tilespmem:s15+$0x8230];
	v4 =	vmul.f32 v4, v0;
	v5 =	vmul.f32 v5, v1;
	v2 =	vadd.f32 v3, v2  }
0x33: {  	v12 =	vld [tilespmem:s15+$0x240]  }
0x34: {  	v13 =	vld [tilespmem:s15+$0x8240];
	v3 =	vadd.f32 v5, v4;
	v4 =	vmul.f32 v7, v1;
	[tilespmem:s15+$0x10270] =	vst v2;
	v2 =	vmul.f32 v6, v0  }
0x35: {  	v5 =	vld [tilespmem:s15+$0x250];
	v7 =	vmul.f32 v9, v1;
	v6 =	vmul.f32 v8, v0  }
0x36: {  	[tilespmem:s15+$0x10200] =	vst v3;
	v3 =	vld [tilespmem:s15+$0x8250];
	v2 =	vadd.f32 v4, v2  }
0x37: {  	v8 =	vmul.f32 v10, v0;
	v10 =	vmul.f32 v11, v1;
	v4 =	vld [tilespmem:s15+$0x260];
	v9 =	vadd.f32 v7, v6  }
0x38: {  	s26 =	simm.s32 $0x80;
	v6 =	vld [tilespmem:s15+$0x8260];
	[tilespmem:s15+$0x10210] =	vst v2  }
0x39: {  	s31 =	simm.s32 $0x400;
	v7 =	vmul.f32 v12, v0;
	v8 =	vadd.f32 v10, v8;
	v2 =	vld [tilespmem:s26+$0x270];
	[tilespmem:s15+$0x10220] =	vst v9;
	v9 =	vmul.f32 v13, v1  }
.LBB2_2:
0x3a: {  	p0 =	sne.s32 s31, $0xFE00;
	v10 =	vld [tilespmem:s26+$0x8270];
	v5 =	vmul.f32 v5, v0  }
0x3b: {  	v11 =	vld [tilespmem:s26+$0x200];
	[tilespmem:s15+$0x10230] =	vst v8;
	v7 =	vadd.f32 v9, v7;
	v3 =	vmul.f32 v3, v1  }
0x3c: {  	v8 =	vld [tilespmem:s26+$0x8200];
	v4 =	vmul.f32 v4, v0  }
0x3d: {  	v9 =	vld [tilespmem:s26+$0x210];
	[tilespmem:s15+$0x10240] =	vst v7;
	v3 =	vadd.f32 v3, v5;
	v5 =	vmul.f32 v6, v1  }
0x3e: {  	v6 =	vld [tilespmem:s26+$0x8210]  }
0x3f: {  	v2 =	vmul.f32 v2, v0;
	v7 =	vld [tilespmem:s26+$0x220];
	v10 =	vmul.f32 v10, v1;
	[tilespmem:s15+$0x10250] =	vst v3;
	v3 =	vadd.f32 v5, v4  }
0x40: {  	v4 =	vmul.f32 v11, v0;
	v5 =	vld [tilespmem:s26+$0x8220]  }
0x41: {  	v8 =	vmul.f32 v8, v1;
	v11 =	vld [tilespmem:s26+$0x230];
	v2 =	vadd.f32 v10, v2;
	[tilespmem:s15+$0x10260] =	vst v3;
	s15 =	smov.u32 s26  }
0x42: {  	v3 =	vmul.f32 v9, v0;
	v9 =	vld [tilespmem:s15+$0x8230]  }
0x43: {  	v4 =	vadd.f32 v8, v4;
	v6 =	vmul.f32 v6, v1;
	v8 =	vld [tilespmem:s15+$0x240];
	[tilespmem:s15+$0x10270] =	vst v2  }
0x44: {  	v2 =	vmul.f32 v7, v0;
	v10 =	vld [tilespmem:s15+$0x8240]  }
.Ltmp0:
0x45: {  	[tilespmem:s15+$0x10200] =	vst v4;
	v4 =	vadd.f32 v6, v3;
	v6 =	vmul.f32 v5, v1;
	v5 =	vld [tilespmem:s15+$0x250];
	(pc) =	sbr.rel @p0 .LBB2_2-.Ltmp0, $4  }
0x46: {  	v11 =	vmul.f32 v11, v0;
	v3 =	vld [tilespmem:s15+$0x8250]  }
0x47: {  	[tilespmem:s15+$0x10210] =	vst v4;
	v12 =	vadd.f32 v6, v2;
	v9 =	vmul.f32 v9, v1;
	v4 =	vld [tilespmem:s15+$0x260]  }
0x48: {  	s26 =	sshra.s32 s31, $0x2;
	v7 =	vmul.f32 v8, v0;
	v6 =	vld [tilespmem:s15+$0x8260]  }
0x49: {  	s31 =	sadd.s32 $0x200, s31;
	v2 =	vld [tilespmem:s26+$0x270];
	[tilespmem:s15+$0x10220] =	vst v12;
	v8 =	vadd.f32 v9, v11;
	v9 =	vmul.f32 v10, v1  }
0x4a: {  	v10 =	vld [tilespmem:s26+$0x8270]  }
0x4b: {  	v11 =	vld [tilespmem:s26+$0x200];
	v5 =	vmul.f32 v5, v0;
	[tilespmem:s15+$0x10230] =	vst v8;
	v7 =	vadd.f32 v9, v7;
	v3 =	vmul.f32 v3, v1  }
0x4c: {  	v8 =	vld [tilespmem:s26+$0x8200]  }
0x4d: {  	v9 =	vld [tilespmem:s26+$0x210];
	v4 =	vmul.f32 v4, v0;
	[tilespmem:s15+$0x10240] =	vst v7;
	v3 =	vadd.f32 v3, v5;
	v6 =	vmul.f32 v6, v1  }
0x4e: {  	v5 =	vld [tilespmem:s26+$0x8210]  }
0x4f: {  	v7 =	vld [tilespmem:s26+$0x220];
	[tilespmem:s15+$0x10250] =	vst v3;
	v3 =	vadd.f32 v6, v4  }
0x50: {  	v2 =	vmul.f32 v2, v0;
	v6 =	vmul.f32 v10, v1;
	v4 =	vld [tilespmem:s26+$0x8220]  }
0x51: {  	v10 =	vld [tilespmem:s26+$0x230];
	[tilespmem:s15+$0x10260] =	vst v3  }
0x52: {  	v3 =	vmul.f32 v11, v0;
	v8 =	vmul.f32 v8, v1;
	v2 =	vadd.f32 v6, v2;
	v6 =	vld [tilespmem:s26+$0x8230]  }
0x53: {  	v11 =	vld [tilespmem:s26+$0x240]  }
0x54: {  	v3 =	vadd.f32 v8, v3;
	[tilespmem:s26+$0x10270] =	vst v2;
	v2 =	vmul.f32 v9, v0;
	v5 =	vmul.f32 v5, v1;
	v8 =	vld [tilespmem:s26+$0x8240]  }
0x55: {  	v9 =	vld [tilespmem:s26+$0x8260]  }
0x56: {  	[tilespmem:s26+$0x10200] =	vst v3;
	v2 =	vadd.f32 v5, v2;
	v3 =	vld [tilespmem:s26+$0x250]  }
0x57: {  	v5 =	vld [tilespmem:s26+$0x8250]  }
0x58: {  	[tilespmem:s26+$0x10210] =	vst v2;
	v2 =	vld [tilespmem:s26+$0x260]  }
0x59: {  	v7 =	vmul.f32 v7, v0;
	v4 =	vmul.f32 v4, v1  }
0x5a: {  	v10 =	vmul.f32 v10, v0;
	v6 =	vmul.f32 v6, v1  }
0x5b: {  	v4 =	vadd.f32 v4, v7;
	v7 =	vmul.f32 v11, v0;
	v8 =	vmul.f32 v8, v1  }
0x5c: {  	v6 =	vadd.f32 v6, v10;
	v3 =	vmul.f32 v3, v0;
	v5 =	vmul.f32 v5, v1  }
0x5d: {  	[tilespmem:s26+$0x10220] =	vst v4;
	v4 =	vadd.f32 v8, v7;
	v7 =	vmul.f32 v9, v1;
	v2 =	vmul.f32 v2, v0  }
0x5e: {  	[tilespmem:s26+$0x10230] =	vst v6;
	v3 =	vadd.f32 v5, v3  }
0x5f: {  	[tilespmem:s26+$0x10240] =	vst v4;
	v2 =	vadd.f32 v7, v2  }
0x60: {  	[tilespmem:s26+$0x10250] =	vst v3  }
0x61: {  	s15 =	simm.s32 $0x0;
	[tilespmem:s26+$0x10260] =	vst v2  }
0x62: {  	[hbm4b:s8+s15] =	stream.linear.scatter [tilespmem:s25], [sflag:$0x7], $0x4000, $0x38;
	[tilespmem:$0x18280] =	vst v63  }
0x63: {  	s26 =	simm.s32 $0x100  }
0x64: {  	[tilespmem:s20], [sflag:$0x3] =	stream.indirect.gather [hbm4b:s1+s19], $0x80, s26, s19, $0xb8;
	[tilespmem:$0x18280] =	vst v63  }
0x65: {  	_ = 	snop  }
0x66: {  	[tilespmem:s16], [sflag:$0x5] =	stream.linear.gather [hbm4b:s9+s15], $0x4000, $0x38;
	[tilespmem:$0x18280] =	vst v63  }
0x67: {  	_ =	swait.ge [sflag:s28], $0x4000  }
0x68: {  	[sflag:s28] =	ssyncset.done $0x0  }
0x69: {  	[sflag:s28] =	ssyncadd.s32 $0xFFFFC000  }
0x6a: {  	_ =	swait.ge [sflag:s29], $0x4000  }
0x6b: {  	[sflag:s29] =	ssyncset.done $0x0  }
0x6c: {  	s15 =	simm.s32 $0x0;
	[sflag:s29] =	ssyncadd.s32 $0xFFFFC000  }
0x6d: {  	v2 =	vld [tilespmem:s15+$0x4270]  }
0x6e: {  	v3 =	vld [tilespmem:s15+$0xC270]  }
0x6f: {  	v4 =	vld [tilespmem:s15+$0x4200]  }
0x70: {  	v5 =	vld [tilespmem:s15+$0xC200]  }
0x71: {  	v6 =	vld [tilespmem:s15+$0x4210]  }
0x72: {  	v7 =	vld [tilespmem:s15+$0xC210]  }
0x73: {  	v8 =	vld [tilespmem:s15+$0x4220]  }
0x74: {  	v9 =	vld [tilespmem:s15+$0xC220];
	v2 =	vmul.f32 v2, v0;
	v3 =	vmul.f32 v3, v1  }
0x75: {  	v10 =	vld [tilespmem:s15+$0x4230]  }
0x76: {  	v11 =	vld [tilespmem:s15+$0xC230];
	v4 =	vmul.f32 v4, v0;
	v5 =	vmul.f32 v5, v1;
	v2 =	vadd.f32 v3, v2  }
0x77: {  	v12 =	vld [tilespmem:s15+$0x4240]  }
0x78: {  	v13 =	vld [tilespmem:s15+$0xC240];
	v3 =	vadd.f32 v5, v4;
	v4 =	vmul.f32 v7, v1;
	[tilespmem:s15+$0x14270] =	vst v2;
	v2 =	vmul.f32 v6, v0  }
0x79: {  	v5 =	vld [tilespmem:s15+$0x4250];
	v7 =	vmul.f32 v9, v1;
	v6 =	vmul.f32 v8, v0  }
0x7a: {  	[tilespmem:s15+$0x14200] =	vst v3;
	v3 =	vld [tilespmem:s15+$0xC250];
	v2 =	vadd.f32 v4, v2  }
0x7b: {  	v8 =	vmul.f32 v10, v0;
	v10 =	vmul.f32 v11, v1;
	v4 =	vld [tilespmem:s15+$0x4260];
	v9 =	vadd.f32 v7, v6  }
0x7c: {  	s26 =	simm.s32 $0x80;
	v6 =	vld [tilespmem:s15+$0xC260];
	[tilespmem:s15+$0x14210] =	vst v2  }
0x7d: {  	s31 =	simm.s32 $0x400;
	v7 =	vmul.f32 v12, v0;
	v8 =	vadd.f32 v10, v8;
	v2 =	vld [tilespmem:s26+$0x4270];
	[tilespmem:s15+$0x14220] =	vst v9;
	v9 =	vmul.f32 v13, v1  }
.LBB2_4:
0x7e: {  	p0 =	sne.s32 s31, $0xFE00;
	v10 =	vld [tilespmem:s26+$0xC270];
	v5 =	vmul.f32 v5, v0  }
0x7f: {  	v11 =	vld [tilespmem:s26+$0x4200];
	[tilespmem:s15+$0x14230] =	vst v8;
	v7 =	vadd.f32 v9, v7;
	v3 =	vmul.f32 v3, v1  }
0x80: {  	v8 =	vld [tilespmem:s26+$0xC200];
	v4 =	vmul.f32 v4, v0  }
0x81: {  	v9 =	vld [tilespmem:s26+$0x4210];
	[tilespmem:s15+$0x14240] =	vst v7;
	v3 =	vadd.f32 v3, v5;
	v5 =	vmul.f32 v6, v1  }
0x82: {  	v6 =	vld [tilespmem:s26+$0xC210]  }
0x83: {  	v2 =	vmul.f32 v2, v0;
	v7 =	vld [tilespmem:s26+$0x4220];
	v10 =	vmul.f32 v10, v1;
	[tilespmem:s15+$0x14250] =	vst v3;
	v3 =	vadd.f32 v5, v4  }
0x84: {  	v4 =	vmul.f32 v11, v0;
	v5 =	vld [tilespmem:s26+$0xC220]  }
0x85: {  	v8 =	vmul.f32 v8, v1;
	v11 =	vld [tilespmem:s26+$0x4230];
	v2 =	vadd.f32 v10, v2;
	[tilespmem:s15+$0x14260] =	vst v3;
	s15 =	smov.u32 s26  }
0x86: {  	v3 =	vmul.f32 v9, v0;
	v9 =	vld [tilespmem:s15+$0xC230]  }
0x87: {  	v4 =	vadd.f32 v8, v4;
	v6 =	vmul.f32 v6, v1;
	v8 =	vld [tilespmem:s15+$0x4240];
	[tilespmem:s15+$0x14270] =	vst v2  }
0x88: {  	v2 =	vmul.f32 v7, v0;
	v10 =	vld [tilespmem:s15+$0xC240]  }
.Ltmp1:
0x89: {  	[tilespmem:s15+$0x14200] =	vst v4;
	v4 =	vadd.f32 v6, v3;
	v6 =	vmul.f32 v5, v1;
	v5 =	vld [tilespmem:s15+$0x4250];
	(pc) =	sbr.rel @p0 .LBB2_4-.Ltmp1, $4  }
0x8a: {  	v11 =	vmul.f32 v11, v0;
	v3 =	vld [tilespmem:s15+$0xC250]  }
0x8b: {  	[tilespmem:s15+$0x14210] =	vst v4;
	v12 =	vadd.f32 v6, v2;
	v9 =	vmul.f32 v9, v1;
	v4 =	vld [tilespmem:s15+$0x4260]  }
0x8c: {  	s26 =	sshra.s32 s31, $0x2;
	v7 =	vmul.f32 v8, v0;
	v6 =	vld [tilespmem:s15+$0xC260]  }
0x8d: {  	s31 =	sadd.s32 $0x200, s31;
	v2 =	vld [tilespmem:s26+$0x4270];
	[tilespmem:s15+$0x14220] =	vst v12;
	v8 =	vadd.f32 v9, v11;
	v9 =	vmul.f32 v10, v1  }
0x8e: {  	v10 =	vld [tilespmem:s26+$0xC270]  }
0x8f: {  	v11 =	vld [tilespmem:s26+$0x4200];
	v5 =	vmul.f32 v5, v0;
	[tilespmem:s15+$0x14230] =	vst v8;
	v7 =	vadd.f32 v9, v7;
	v3 =	vmul.f32 v3, v1  }
0x90: {  	v8 =	vld [tilespmem:s26+$0xC200]  }
0x91: {  	v9 =	vld [tilespmem:s26+$0x4210];
	v4 =	vmul.f32 v4, v0;
	[tilespmem:s15+$0x14240] =	vst v7;
	v3 =	vadd.f32 v3, v5;
	v6 =	vmul.f32 v6, v1  }
0x92: {  	v5 =	vld [tilespmem:s26+$0xC210]  }
0x93: {  	v7 =	vld [tilespmem:s26+$0x4220];
	[tilespmem:s15+$0x14250] =	vst v3;
	v3 =	vadd.f32 v6, v4  }
0x94: {  	v2 =	vmul.f32 v2, v0;
	v6 =	vmul.f32 v10, v1;
	v4 =	vld [tilespmem:s26+$0xC220]  }
0x95: {  	v10 =	vld [tilespmem:s26+$0x4230];
	[tilespmem:s15+$0x14260] =	vst v3  }
0x96: {  	v3 =	vmul.f32 v11, v0;
	v8 =	vmul.f32 v8, v1;
	v2 =	vadd.f32 v6, v2;
	v6 =	vld [tilespmem:s26+$0xC230]  }
0x97: {  	v11 =	vld [tilespmem:s26+$0x4240]  }
0x98: {  	v3 =	vadd.f32 v8, v3;
	[tilespmem:s26+$0x14270] =	vst v2;
	v2 =	vmul.f32 v9, v0;
	v5 =	vmul.f32 v5, v1;
	v8 =	vld [tilespmem:s26+$0xC240]  }
0x99: {  	v9 =	vld [tilespmem:s26+$0xC260]  }
0x9a: {  	[tilespmem:s26+$0x14200] =	vst v3;
	v2 =	vadd.f32 v5, v2;
	v3 =	vld [tilespmem:s26+$0x4250]  }
0x9b: {  	v5 =	vld [tilespmem:s26+$0xC250]  }
0x9c: {  	[tilespmem:s26+$0x14210] =	vst v2;
	v2 =	vld [tilespmem:s26+$0x4260]  }
0x9d: {  	v7 =	vmul.f32 v7, v0;
	v4 =	vmul.f32 v4, v1  }
0x9e: {  	v10 =	vmul.f32 v10, v0;
	v6 =	vmul.f32 v6, v1  }
0x9f: {  	v4 =	vadd.f32 v4, v7;
	v7 =	vmul.f32 v11, v0;
	v8 =	vmul.f32 v8, v1  }
0xa0: {  	v6 =	vadd.f32 v6, v10;
	v3 =	vmul.f32 v3, v0;
	v5 =	vmul.f32 v5, v1  }
0xa1: {  	[tilespmem:s26+$0x14220] =	vst v4;
	v4 =	vadd.f32 v8, v7;
	v7 =	vmul.f32 v9, v1;
	v2 =	vmul.f32 v2, v0  }
0xa2: {  	[tilespmem:s26+$0x14230] =	vst v6;
	v3 =	vadd.f32 v5, v3  }
0xa3: {  	[tilespmem:s26+$0x14240] =	vst v4;
	v2 =	vadd.f32 v7, v2  }
0xa4: {  	[tilespmem:s26+$0x14250] =	vst v3  }
0xa5: {  	s15 =	simm.s32 $0x0;
	[tilespmem:s26+$0x14260] =	vst v2  }
0xa6: {  	[hbm4b:s10+s15] =	stream.linear.scatter [tilespmem:s30], [sflag:$0x8], $0x4000, $0x38;
	[tilespmem:$0x18280] =	vst v63  }
0xa7: {  	s26 =	simm.s32 $0x180  }
0xa8: {  	[tilespmem:s21], [sflag:$0x4] =	stream.indirect.gather [hbm4b:s1+s19], $0x80, s26, s19, $0xb8;
	[tilespmem:$0x18280] =	vst v63  }
0xa9: {  	_ = 	snop  }
0xaa: {  	[tilespmem:s17], [sflag:$0x6] =	stream.linear.gather [hbm4b:s11+s15], $0x4000, $0x38;
	[tilespmem:$0x18280] =	vst v63  }
0xab: {  	_ =	swait.ge [sflag:s23], $0x4000  }
0xac: {  	[sflag:s23] =	ssyncset.done $0x0  }
0xad: {  	[sflag:s23] =	ssyncadd.s32 $0xFFFFC000  }
0xae: {  	_ =	swait.ge [sflag:s24], $0x4000  }
0xaf: {  	[sflag:s24] =	ssyncset.done $0x0  }
0xb0: {  	[sflag:s24] =	ssyncadd.s32 $0xFFFFC000  }
0xb1: {  	_ =	swait.ge [sflag:s0], $0x4000  }
0xb2: {  	[sflag:s0] =	ssyncset.done $0x0  }
0xb3: {  	s15 =	simm.s32 $0x0;
	[sflag:s0] =	ssyncadd.s32 $0xFFFFC000  }
0xb4: {  	v2 =	vld [tilespmem:s15+$0x270]  }
0xb5: {  	v3 =	vld [tilespmem:s15+$0x8270]  }
0xb6: {  	v4 =	vld [tilespmem:s15+$0x200]  }
0xb7: {  	v5 =	vld [tilespmem:s15+$0x8200]  }
0xb8: {  	v6 =	vld [tilespmem:s15+$0x210]  }
0xb9: {  	v7 =	vld [tilespmem:s15+$0x8210]  }
0xba: {  	v8 =	vld [tilespmem:s15+$0x220]  }
0xbb: {  	v9 =	vld [tilespmem:s15+$0x8220];
	v2 =	vmul.f32 v2, v0;
	v3 =	vmul.f32 v3, v1  }
0xbc: {  	v10 =	vld [tilespmem:s15+$0x230]  }
0xbd: {  	v11 =	vld [tilespmem:s15+$0x8230];
	v4 =	vmul.f32 v4, v0;
	v5 =	vmul.f32 v5, v1;
	v2 =	vadd.f32 v3, v2  }
0xbe: {  	v12 =	vld [tilespmem:s15+$0x240]  }
0xbf: {  	v13 =	vld [tilespmem:s15+$0x8240];
	v3 =	vadd.f32 v5, v4;
	v4 =	vmul.f32 v7, v1;
	[tilespmem:s15+$0x10270] =	vst v2;
	v2 =	vmul.f32 v6, v0  }
0xc0: {  	v5 =	vld [tilespmem:s15+$0x250];
	v7 =	vmul.f32 v9, v1;
	v6 =	vmul.f32 v8, v0  }
0xc1: {  	[tilespmem:s15+$0x10200] =	vst v3;
	v3 =	vld [tilespmem:s15+$0x8250];
	v2 =	vadd.f32 v4, v2  }
0xc2: {  	v8 =	vmul.f32 v10, v0;
	v10 =	vmul.f32 v11, v1;
	v4 =	vld [tilespmem:s15+$0x260];
	v9 =	vadd.f32 v7, v6  }
0xc3: {  	s26 =	simm.s32 $0x80;
	v6 =	vld [tilespmem:s15+$0x8260];
	[tilespmem:s15+$0x10210] =	vst v2  }
0xc4: {  	s31 =	simm.s32 $0x400;
	v7 =	vmul.f32 v12, v0;
	v8 =	vadd.f32 v10, v8;
	v2 =	vld [tilespmem:s26+$0x270];
	[tilespmem:s15+$0x10220] =	vst v9;
	v9 =	vmul.f32 v13, v1  }
.LBB2_6:
0xc5: {  	p0 =	sne.s32 s31, $0xFE00;
	v10 =	vld [tilespmem:s26+$0x8270];
	v5 =	vmul.f32 v5, v0  }
0xc6: {  	v11 =	vld [tilespmem:s26+$0x200];
	[tilespmem:s15+$0x10230] =	vst v8;
	v7 =	vadd.f32 v9, v7;
	v3 =	vmul.f32 v3, v1  }
0xc7: {  	v8 =	vld [tilespmem:s26+$0x8200];
	v4 =	vmul.f32 v4, v0  }
0xc8: {  	v9 =	vld [tilespmem:s26+$0x210];
	[tilespmem:s15+$0x10240] =	vst v7;
	v3 =	vadd.f32 v3, v5;
	v5 =	vmul.f32 v6, v1  }
0xc9: {  	v6 =	vld [tilespmem:s26+$0x8210]  }
0xca: {  	v2 =	vmul.f32 v2, v0;
	v7 =	vld [tilespmem:s26+$0x220];
	v10 =	vmul.f32 v10, v1;
	[tilespmem:s15+$0x10250] =	vst v3;
	v3 =	vadd.f32 v5, v4  }
0xcb: {  	v4 =	vmul.f32 v11, v0;
	v5 =	vld [tilespmem:s26+$0x8220]  }
0xcc: {  	v8 =	vmul.f32 v8, v1;
	v11 =	vld [tilespmem:s26+$0x230];
	v2 =	vadd.f32 v10, v2;
	[tilespmem:s15+$0x10260] =	vst v3;
	s15 =	smov.u32 s26  }
0xcd: {  	v3 =	vmul.f32 v9, v0;
	v9 =	vld [tilespmem:s15+$0x8230]  }
0xce: {  	v4 =	vadd.f32 v8, v4;
	v6 =	vmul.f32 v6, v1;
	v8 =	vld [tilespmem:s15+$0x240];
	[tilespmem:s15+$0x10270] =	vst v2  }
0xcf: {  	v2 =	vmul.f32 v7, v0;
	v10 =	vld [tilespmem:s15+$0x8240]  }
.Ltmp2:
0xd0: {  	[tilespmem:s15+$0x10200] =	vst v4;
	v4 =	vadd.f32 v6, v3;
	v6 =	vmul.f32 v5, v1;
	v5 =	vld [tilespmem:s15+$0x250];
	(pc) =	sbr.rel @p0 .LBB2_6-.Ltmp2, $4  }
0xd1: {  	v11 =	vmul.f32 v11, v0;
	v3 =	vld [tilespmem:s15+$0x8250]  }
0xd2: {  	[tilespmem:s15+$0x10210] =	vst v4;
	v12 =	vadd.f32 v6, v2;
	v9 =	vmul.f32 v9, v1;
	v4 =	vld [tilespmem:s15+$0x260]  }
0xd3: {  	s26 =	sshra.s32 s31, $0x2;
	v7 =	vmul.f32 v8, v0;
	v6 =	vld [tilespmem:s15+$0x8260]  }
0xd4: {  	s31 =	sadd.s32 $0x200, s31;
	v2 =	vld [tilespmem:s26+$0x270];
	[tilespmem:s15+$0x10220] =	vst v12;
	v8 =	vadd.f32 v9, v11;
	v9 =	vmul.f32 v10, v1  }
0xd5: {  	v10 =	vld [tilespmem:s26+$0x8270]  }
0xd6: {  	v11 =	vld [tilespmem:s26+$0x200];
	v5 =	vmul.f32 v5, v0;
	[tilespmem:s15+$0x10230] =	vst v8;
	v7 =	vadd.f32 v9, v7;
	v3 =	vmul.f32 v3, v1  }
0xd7: {  	v8 =	vld [tilespmem:s26+$0x8200]  }
0xd8: {  	v9 =	vld [tilespmem:s26+$0x210];
	v4 =	vmul.f32 v4, v0;
	[tilespmem:s15+$0x10240] =	vst v7;
	v3 =	vadd.f32 v3, v5;
	v6 =	vmul.f32 v6, v1  }
0xd9: {  	v5 =	vld [tilespmem:s26+$0x8210]  }
0xda: {  	v7 =	vld [tilespmem:s26+$0x220];
	[tilespmem:s15+$0x10250] =	vst v3;
	v3 =	vadd.f32 v6, v4  }
0xdb: {  	v2 =	vmul.f32 v2, v0;
	v6 =	vmul.f32 v10, v1;
	v4 =	vld [tilespmem:s26+$0x8220]  }
0xdc: {  	v10 =	vld [tilespmem:s26+$0x230];
	[tilespmem:s15+$0x10260] =	vst v3  }
0xdd: {  	v3 =	vmul.f32 v11, v0;
	v8 =	vmul.f32 v8, v1;
	v2 =	vadd.f32 v6, v2;
	v6 =	vld [tilespmem:s26+$0x8230]  }
0xde: {  	v11 =	vld [tilespmem:s26+$0x240]  }
0xdf: {  	v3 =	vadd.f32 v8, v3;
	[tilespmem:s26+$0x10270] =	vst v2;
	v2 =	vmul.f32 v9, v0;
	v5 =	vmul.f32 v5, v1;
	v8 =	vld [tilespmem:s26+$0x8240]  }
0xe0: {  	v9 =	vld [tilespmem:s26+$0x8260]  }
0xe1: {  	[tilespmem:s26+$0x10200] =	vst v3;
	v2 =	vadd.f32 v5, v2;
	v3 =	vld [tilespmem:s26+$0x250]  }
0xe2: {  	v5 =	vld [tilespmem:s26+$0x8250]  }
0xe3: {  	[tilespmem:s26+$0x10210] =	vst v2;
	v2 =	vld [tilespmem:s26+$0x260]  }
0xe4: {  	v7 =	vmul.f32 v7, v0;
	v4 =	vmul.f32 v4, v1  }
0xe5: {  	v10 =	vmul.f32 v10, v0;
	v6 =	vmul.f32 v6, v1  }
0xe6: {  	v4 =	vadd.f32 v4, v7;
	v7 =	vmul.f32 v11, v0;
	v8 =	vmul.f32 v8, v1  }
0xe7: {  	v6 =	vadd.f32 v6, v10;
	v3 =	vmul.f32 v3, v0;
	v5 =	vmul.f32 v5, v1  }
0xe8: {  	[tilespmem:s26+$0x10220] =	vst v4;
	v4 =	vadd.f32 v8, v7;
	v7 =	vmul.f32 v9, v1;
	v2 =	vmul.f32 v2, v0  }
0xe9: {  	[tilespmem:s26+$0x10230] =	vst v6;
	v3 =	vadd.f32 v5, v3  }
0xea: {  	[tilespmem:s26+$0x10240] =	vst v4;
	v2 =	vadd.f32 v7, v2  }
0xeb: {  	[tilespmem:s26+$0x10250] =	vst v3  }
0xec: {  	[tilespmem:s26+$0x10260] =	vst v2;
	s26 =	simm.s32 $0x0  }
0xed: {  	[hbm4b:s12+s26] =	stream.linear.scatter [tilespmem:s25], [sflag:$0x7], $0x4000, $0x38;
	[tilespmem:$0x18280] =	vst v63  }
0xee: {  	_ =	swait.ge [sflag:s28], $0x4000  }
0xef: {  	[sflag:s28] =	ssyncset.done $0x0  }
0xf0: {  	[sflag:s28] =	ssyncadd.s32 $0xFFFFC000  }
0xf1: {  	_ =	swait.ge [sflag:s29], $0x4000  }
0xf2: {  	[sflag:s29] =	ssyncset.done $0x0  }
0xf3: {  	[sflag:s29] =	ssyncadd.s32 $0xFFFFC000  }
0xf4: {  	_ =	swait.ge [sflag:s3], $0x4000  }
0xf5: {  	[sflag:s3] =	ssyncset.done $0x0  }
0xf6: {  	s15 =	simm.s32 $0x0;
	[sflag:s3] =	ssyncadd.s32 $0xFFFFC000  }
0xf7: {  	v2 =	vld [tilespmem:s15+$0x4270]  }
0xf8: {  	v3 =	vld [tilespmem:s15+$0xC270]  }
0xf9: {  	v4 =	vld [tilespmem:s15+$0x4200]  }
0xfa: {  	v5 =	vld [tilespmem:s15+$0xC200]  }
0xfb: {  	v6 =	vld [tilespmem:s15+$0x4210]  }
0xfc: {  	v7 =	vld [tilespmem:s15+$0xC210]  }
0xfd: {  	v8 =	vld [tilespmem:s15+$0x4220]  }
0xfe: {  	v9 =	vld [tilespmem:s15+$0xC220];
	v2 =	vmul.f32 v2, v0;
	v3 =	vmul.f32 v3, v1  }
0xff: {  	v10 =	vld [tilespmem:s15+$0x4230]  }
0x100: {  	v11 =	vld [tilespmem:s15+$0xC230];
	v4 =	vmul.f32 v4, v0;
	v5 =	vmul.f32 v5, v1;
	v2 =	vadd.f32 v3, v2  }
0x101: {  	v12 =	vld [tilespmem:s15+$0x4240]  }
0x102: {  	v13 =	vld [tilespmem:s15+$0xC240];
	v3 =	vadd.f32 v5, v4;
	v4 =	vmul.f32 v7, v1;
	[tilespmem:s15+$0x14270] =	vst v2;
	v2 =	vmul.f32 v6, v0  }
0x103: {  	v5 =	vld [tilespmem:s15+$0x4250];
	v7 =	vmul.f32 v9, v1;
	v6 =	vmul.f32 v8, v0  }
0x104: {  	[tilespmem:s15+$0x14200] =	vst v3;
	v3 =	vld [tilespmem:s15+$0xC250];
	v2 =	vadd.f32 v4, v2  }
0x105: {  	v8 =	vmul.f32 v10, v0;
	v10 =	vmul.f32 v11, v1;
	v4 =	vld [tilespmem:s15+$0x4260];
	v9 =	vadd.f32 v7, v6  }
0x106: {  	s26 =	simm.s32 $0x80;
	v6 =	vld [tilespmem:s15+$0xC260];
	[tilespmem:s15+$0x14210] =	vst v2  }
0x107: {  	s31 =	simm.s32 $0x400;
	v7 =	vmul.f32 v12, v0;
	v8 =	vadd.f32 v10, v8;
	v2 =	vld [tilespmem:s26+$0x4270];
	[tilespmem:s15+$0x14220] =	vst v9;
	v9 =	vmul.f32 v13, v1  }
.LBB2_8:
0x108: {  	p0 =	sne.s32 s31, $0xFE00;
	v10 =	vld [tilespmem:s26+$0xC270];
	v5 =	vmul.f32 v5, v0  }
0x109: {  	v11 =	vld [tilespmem:s26+$0x4200];
	[tilespmem:s15+$0x14230] =	vst v8;
	v7 =	vadd.f32 v9, v7;
	v3 =	vmul.f32 v3, v1  }
0x10a: {  	v8 =	vld [tilespmem:s26+$0xC200];
	v4 =	vmul.f32 v4, v0  }
0x10b: {  	v9 =	vld [tilespmem:s26+$0x4210];
	[tilespmem:s15+$0x14240] =	vst v7;
	v3 =	vadd.f32 v3, v5;
	v5 =	vmul.f32 v6, v1  }
0x10c: {  	v6 =	vld [tilespmem:s26+$0xC210]  }
0x10d: {  	v2 =	vmul.f32 v2, v0;
	v7 =	vld [tilespmem:s26+$0x4220];
	v10 =	vmul.f32 v10, v1;
	[tilespmem:s15+$0x14250] =	vst v3;
	v3 =	vadd.f32 v5, v4  }
0x10e: {  	v4 =	vmul.f32 v11, v0;
	v5 =	vld [tilespmem:s26+$0xC220]  }
0x10f: {  	v8 =	vmul.f32 v8, v1;
	v11 =	vld [tilespmem:s26+$0x4230];
	v2 =	vadd.f32 v10, v2;
	[tilespmem:s15+$0x14260] =	vst v3;
	s15 =	smov.u32 s26  }
0x110: {  	v3 =	vmul.f32 v9, v0;
	v9 =	vld [tilespmem:s15+$0xC230]  }
0x111: {  	v4 =	vadd.f32 v8, v4;
	v6 =	vmul.f32 v6, v1;
	v8 =	vld [tilespmem:s15+$0x4240];
	[tilespmem:s15+$0x14270] =	vst v2  }
0x112: {  	v2 =	vmul.f32 v7, v0;
	v10 =	vld [tilespmem:s15+$0xC240]  }
.Ltmp3:
0x113: {  	[tilespmem:s15+$0x14200] =	vst v4;
	v4 =	vadd.f32 v6, v3;
	v6 =	vmul.f32 v5, v1;
	v5 =	vld [tilespmem:s15+$0x4250];
	(pc) =	sbr.rel @p0 .LBB2_8-.Ltmp3, $4  }
0x114: {  	v11 =	vmul.f32 v11, v0;
	v3 =	vld [tilespmem:s15+$0xC250]  }
0x115: {  	[tilespmem:s15+$0x14210] =	vst v4;
	v12 =	vadd.f32 v6, v2;
	v9 =	vmul.f32 v9, v1;
	v4 =	vld [tilespmem:s15+$0x4260]  }
0x116: {  	s26 =	sshra.s32 s31, $0x2;
	v7 =	vmul.f32 v8, v0;
	v6 =	vld [tilespmem:s15+$0xC260]  }
0x117: {  	s31 =	sadd.s32 $0x200, s31;
	v2 =	vld [tilespmem:s26+$0x4270];
	[tilespmem:s15+$0x14220] =	vst v12;
	v8 =	vadd.f32 v9, v11;
	v9 =	vmul.f32 v10, v1  }
0x118: {  	v10 =	vld [tilespmem:s26+$0xC270]  }
0x119: {  	v11 =	vld [tilespmem:s26+$0x4200];
	v5 =	vmul.f32 v5, v0;
	[tilespmem:s15+$0x14230] =	vst v8;
	v7 =	vadd.f32 v9, v7;
	v3 =	vmul.f32 v3, v1  }
0x11a: {  	v8 =	vld [tilespmem:s26+$0xC200]  }
0x11b: {  	v44 =	vld [tilespmem:s26+$0x4210];
	v4 =	vmul.f32 v4, v0;
	[tilespmem:s15+$0x14240] =	vst v7;
	v3 =	vadd.f32 v3, v5;
	v6 =	vmul.f32 v6, v1  }
0x11c: {  	v45 =	vld [tilespmem:s26+$0xC210]  }
0x11d: {  	v7 =	vld [tilespmem:s26+$0x4220];
	[tilespmem:s15+$0x14250] =	vst v3;
	v46 =	vadd.f32 v6, v4  }
0x11e: {  	v47 =	vld [tilespmem:s26+$0xC220]  }
0x11f: {  	v49 =	vld [tilespmem:s26+$0x4230];
	[tilespmem:s15+$0x14260] =	vst v46  }
0x120: {  	v51 =	vld [tilespmem:s26+$0xC230]  }
0x121: {  	v52 =	vld [tilespmem:s26+$0x4240]  }
0x122: {  	v54 =	vld [tilespmem:s26+$0xC240]  }
0x123: {  	v55 =	vld [tilespmem:s26+$0x4250]  }
0x124: {  	v2 =	vmul.f32 v2, v0;
	v48 =	vmul.f32 v10, v1;
	v56 =	vld [tilespmem:s26+$0xC250]  }
0x125: {  	v50 =	vmul.f32 v11, v0;
	v8 =	vmul.f32 v8, v1;
	v57 =	vld [tilespmem:s26+$0x4260]  }
0x126: {  	v2 =	vadd.f32 v48, v2;
	v53 =	vmul.f32 v44, v0;
	v58 =	vld [tilespmem:s26+$0xC260];
	v5 =	vmul.f32 v45, v1  }
0x127: {  	v3 =	vadd.f32 v8, v50;
	v7 =	vmul.f32 v7, v0;
	v4 =	vmul.f32 v47, v1  }
0x128: {  	[tilespmem:s26+$0x14270] =	vst v2;
	v2 =	vadd.f32 v5, v53;
	v10 =	vmul.f32 v49, v0;
	v6 =	vmul.f32 v51, v1  }
0x129: {  	[tilespmem:s26+$0x14200] =	vst v3;
	v4 =	vadd.f32 v4, v7;
	v59 =	vmul.f32 v52, v0;
	v8 =	vmul.f32 v54, v1  }
0x12a: {  	[tilespmem:s26+$0x14210] =	vst v2;
	v3 =	vmul.f32 v55, v0;
	v5 =	vmul.f32 v56, v1;
	v6 =	vadd.f32 v6, v10  }
0x12b: {  	v61 =	vmul.f32 v57, v0;
	v62 =	vmul.f32 v58, v1;
	[tilespmem:s26+$0x14220] =	vst v4;
	v60 =	vadd.f32 v8, v59  }
0x12c: {  	v63 =	vadd.f32 v5, v3;
	[tilespmem:s26+$0x14230] =	vst v6  }
0x12d: {  	v0 =	vadd.f32 v62, v61;
	[tilespmem:s26+$0x14240] =	vst v60  }
0x12e: {  	[tilespmem:s26+$0x14250] =	vst v63  }
0x12f: {  	s2 =	sadd.s32 $0x1, s2;
	[tilespmem:s26+$0x14260] =	vst v0  }
0x130: {  	[hbm4b:s13+s4] =	stream.linear.scatter [tilespmem:s30], [sflag:$0x8], $0x4000, $0x38;
	[tilespmem:$0x18280] =	vst v63  }
0x131: {  	p0 =	sne.s32 s2, s14;
	_ =	swait.ge [sflag:s0], $0x4000  }
.Ltmp4:
0x132: {  	[sflag:s0] =	ssyncset.done $0x0;
	(pc) =	sbr.rel @p0 .LBB2_1-.Ltmp4, $4  }
0x133: {  	[sflag:s0] =	ssyncadd.s32 $0xFFFFC000  }
0x134: {  	_ =	swait.ge [sflag:s3], $0x4000  }
0x135: {  	[sflag:s3] =	ssyncset.done $0x0  }
0x136: {  	[sflag:s3] =	ssyncadd.s32 $0xFFFFC000  }
0x137: {  	_ =	sfence.sel $0x180000  }
0x138: {  	[bflag:$0x0] =	sbarrier.arrive $0xFFFF  }
0x139: {  	_ =	strace $0x90000047  }
0x13a: {  	s0 =	stileid.u32;
	[bflag:$0x2] =	sbarrier.arrive $0xFFFF  }
0x13b: {  	p0 =	sne.s32 s0, $0x0;
	s0 =	rddreg [dreg:$0x4]  }
0x13c: {  	s0 =	sadd.s32 @!p0 $0x100000, s0  }
0x13d: {  	[sflag:s0] =	ssyncadd.tile.s32 @!p0 $0x1;
	_ =	shalt  }
.Lfunc_end2:
_tile_overlayer_lowered:
.L_overlay_start_2:
0x13e: {  	(tag) =	ssettag $0x2  }
0x13f: {  	s0 =	rddreg [dreg:$0x0];
	s2 =	stileid.u32  }
0x140: {  	s1 =	rddreg [dreg:$0x1];
	p0 =	sne.s32 s2, $0x0  }
0x141: {  	s3 =	rddreg [dreg:$0x2];
	[bflag:$0x3] =	sbarrier.arrive $0xFFFF;
	s2 =	simm.s32 @!p0 $0x1C09  }
0x142: {  	[timem:s3], [sflag:s2] =	dma.local @!p0 [hbm:s0], s1  }
0x143: {  	s0 =	simm.s32 @!p0 $0x9  }
0x144: {  	_ =	swait.ge @!p0 [sflag:s0], s1  }
0x145: {  	s1 =	ssub.s32 @!p0 $0x0, s1;
	[sflag:s0] =	ssyncset.done @!p0 $0x0  }
0x146: {  	[sflag:s0] =	ssyncadd.s32 @!p0 s1  }
0x147: {  	[bflag:$0x3] =	sbarrier.arrive $0xFFFF  }
0x148: {  	_ =	shalt  }

</sc_bundles>
